<compile_context>
chip_gen: v7x
topology: tpu7x:2x2x1
jax: 0.10.2.dev20260603
libtpu: 0.0.44.dev20260713+nightly
codegen_flags: <defaults>
</compile_context>

<pallas_src>
import functools

import jax
import jax.numpy as jnp
from jax import lax
from jax.experimental import pallas as pl
from jax.experimental.pallas import tpu as pltpu
from jax.experimental.pallas import tpu_sc as plsc

B, L, D = 4096, 50, 128
N = B * L
NRANK, NSUIT = 13, 4
NCOMBO = NRANK * NSUIT
NCPAD = 56
NC, NS = 2, 16
NW = NC * NS
BATCH_PER_W = B // NW
ROWS_PER_W = N // NW
GCH = 56
NBUF = 8
NTILE = BATCH_PER_W // NBUF


def _combo_body(rank_ref, suit_ref, out_ref):
    rr = lax.broadcasted_iota(jnp.int32, (NCPAD, NRANK), 0) // NSUIT
    rc = lax.broadcasted_iota(jnp.int32, (NCPAD, NRANK), 1)
    oh_r = (rr == rc).astype(jnp.float32)
    sr = lax.broadcasted_iota(jnp.int32, (NCPAD, NSUIT), 0) % NSUIT
    sc = lax.broadcasted_iota(jnp.int32, (NCPAD, NSUIT), 1)
    oh_s = (sr == sc).astype(jnp.float32)
    out_ref[...] = (
        jnp.dot(oh_r, rank_ref[...], preferred_element_type=jnp.float32)
        + jnp.dot(oh_s, suit_ref[...], preferred_element_type=jnp.float32)
    )


def _make_combo(rank_emb, suit_emb):
    return pl.pallas_call(
        _combo_body,
        out_shape=jax.ShapeDtypeStruct((NCPAD, D), jnp.float32),
    )(rank_emb, suit_emb)


_SC_MESH = plsc.VectorSubcoreMesh(core_axis_name="c", subcore_axis_name="s")


@functools.partial(
    pl.kernel,
    mesh=_SC_MESH,
    compiler_params=pltpu.CompilerParams(
        needs_layout_passes=False, use_tc_tiling_on_sc=True),
    out_type=jax.ShapeDtypeStruct((B, L, D), jnp.float32),
    scratch_types=[
        pltpu.VMEM((BATCH_PER_W, 2 * L), jnp.int32),
        pltpu.VMEM((BATCH_PER_W * GCH + 16,), jnp.int32),
        *[pltpu.VMEM((GCH, D), jnp.float32) for _ in range(NBUF)],
        pltpu.VMEM_SHARED((NCPAD, D), jnp.float32),
        *[pltpu.SemaphoreType.DMA for _ in range(2 * NBUF)],
    ],
)
def _sc_lookup(cards_hbm, combo_hbm, out_hbm, cards_v, idx_v, *bufs):
    rows = bufs[:NBUF]
    combo_sp = bufs[NBUF]
    gsem = bufs[NBUF + 1:2 * NBUF + 1]
    ssem = bufs[2 * NBUF + 1:]
    sid = lax.axis_index("s")
    wid = sid * NC + lax.axis_index("c")
    bbase = wid * BATCH_PER_W
    rbase = pl.multiple_of(wid * ROWS_PER_W, ROWS_PER_W)

    @pl.when(sid == 0)
    def _():
        pltpu.sync_copy(combo_hbm, combo_sp)
    plsc.subcore_barrier()

    pltpu.sync_copy(cards_hbm.at[pl.ds(bbase, BATCH_PER_W)], cards_v)

    def idx_body(c, carry):
        goff = pl.multiple_of(c * GCH, GCH)
        b16 = jnp.full((16,), c, jnp.int32)
        for j in range(4):
            l16 = lax.broadcasted_iota(jnp.int32, (16,), 0) + j * 16
            col = 2 * jnp.minimum(l16, L - 1)
            r16 = plsc.load_gather(cards_v, [b16, col])
            s16 = plsc.load_gather(cards_v, [b16, col + 1])
            idx_v[pl.ds(goff + j * 16, 16)] = r16 * NSUIT + s16
        return carry

    lax.fori_loop(0, BATCH_PER_W, idx_body, 0)

    def idx_ref(c):
        return idx_v.at[pl.ds(pl.multiple_of(c * GCH, GCH), GCH)]

    def start_gather(c, b):
        pltpu.make_async_copy(combo_sp.at[idx_ref(c)], rows[b], gsem[b]).start()

    def store(c, b):
        return pltpu.make_async_copy(rows[b].at[pl.ds(0, L)],
                                     out_hbm.at[bbase + c], ssem[b])

    def ring_body(t, carry):
        base = t * NBUF
        for b in range(NBUF):
            @pl.when(t > 0)
            def _():
                store(base + b, b).wait()
            start_gather(base + b, b)
        for b in range(NBUF):
            pltpu.make_async_copy(combo_sp.at[idx_ref(base + b)],
                                  rows[b], gsem[b]).wait()
            store(base + b, b).start()
        return carry

    lax.fori_loop(0, NTILE, ring_body, 0)

    for b in range(NBUF):
        store(NTILE * NBUF - NBUF + b, b).wait()


def kernel(cards, rank_emb, suit_emb):
    combo = _make_combo(rank_emb, suit_emb)
    return _sc_lookup(cards.reshape(B, 2 * L), combo)

# --- scband reference (transcript-rebuilt; emitter-appended) ---
"""Pipeline reference for scband-card-encoder-79585743994894 (READ-ONLY COPY).

The authoritative reference and input builder live on the scoring server;
editing this copy changes nothing except your own understanding.
"""

import jax, jax.numpy as jnp
import numpy as np

B, L, D = 4096, 50, 128

def setup_inputs(seed: int = 0) -> dict:
    key = jax.random.key(seed)
    k1, k2, k3, k4 = jax.random.split(key, 4)
    # fill=randint with fill_max=4 keeps both rank (<13) and suit (<4) indices in range
    cards = jax.random.randint(k1, (B, L, 2), 0, 4).astype(jnp.int32)
    rank_emb = jax.random.normal(k3, (13, D), dtype=jnp.float32)
    suit_emb = jax.random.normal(k4, (4, D), dtype=jnp.float32)
    return {"cards": cards, "rank_emb": rank_emb, "suit_emb": suit_emb}

def reference(cards, rank_emb, suit_emb):
    # ranks = self.rank_emb(cards[:, :, 0])
    ranks = jnp.take(rank_emb, cards[:, :, 0], axis=0)
    # suits = self.suit_emb(cards[:, :, 1])
    suits = jnp.take(suit_emb, cards[:, :, 1], axis=0)
    return ranks + suits

if __name__ == "__main__":
    import jax
    _d = setup_inputs()
    print(jax.jit(kernel)(*tuple(_d.values())))

</pallas_src>

<mosaic_0001>
#map = affine_map<(d0, d1) -> (0, 0)>
#map1 = affine_map<(d0, d1) -> (0, 0, 0)>
module attributes {stable_mosaic.version = 14 : i64} {
  func.func @_sc_lookup(%arg0: i32, %arg1: i32, %arg2: memref<4096x100xi32, #tpu.memory_space<hbm>>, %arg3: memref<56x128xf32, #tpu.memory_space<hbm>>, %arg4: memref<4096x50x128xf32, #tpu.memory_space<hbm>>, %arg5: memref<128x100xi32, #tpu.memory_space<vmem>>, %arg6: memref<7184xi32, #tpu.memory_space<vmem>>, %arg7: memref<56x128xf32, #tpu.memory_space<vmem>>, %arg8: memref<56x128xf32, #tpu.memory_space<vmem>>, %arg9: memref<56x128xf32, #tpu.memory_space<vmem>>, %arg10: memref<56x128xf32, #tpu.memory_space<vmem>>, %arg11: memref<56x128xf32, #tpu.memory_space<vmem>>, %arg12: memref<56x128xf32, #tpu.memory_space<vmem>>, %arg13: memref<56x128xf32, #tpu.memory_space<vmem>>, %arg14: memref<56x128xf32, #tpu.memory_space<vmem>>, %arg15: memref<56x128xf32, #tpu.memory_space<vmem_shared>>, %arg16: memref<!tpu.dma_semaphore, #tpu.memory_space<semaphore_mem>>, %arg17: memref<!tpu.dma_semaphore, #tpu.memory_space<semaphore_mem>>, %arg18: memref<!tpu.dma_semaphore, #tpu.memory_space<semaphore_mem>>, %arg19: memref<!tpu.dma_semaphore, #tpu.memory_space<semaphore_mem>>, %arg20: memref<!tpu.dma_semaphore, #tpu.memory_space<semaphore_mem>>, %arg21: memref<!tpu.dma_semaphore, #tpu.memory_space<semaphore_mem>>, %arg22: memref<!tpu.dma_semaphore, #tpu.memory_space<semaphore_mem>>, %arg23: memref<!tpu.dma_semaphore, #tpu.memory_space<semaphore_mem>>, %arg24: memref<!tpu.dma_semaphore, #tpu.memory_space<semaphore_mem>>, %arg25: memref<!tpu.dma_semaphore, #tpu.memory_space<semaphore_mem>>, %arg26: memref<!tpu.dma_semaphore, #tpu.memory_space<semaphore_mem>>, %arg27: memref<!tpu.dma_semaphore, #tpu.memory_space<semaphore_mem>>, %arg28: memref<!tpu.dma_semaphore, #tpu.memory_space<semaphore_mem>>, %arg29: memref<!tpu.dma_semaphore, #tpu.memory_space<semaphore_mem>>, %arg30: memref<!tpu.dma_semaphore, #tpu.memory_space<semaphore_mem>>, %arg31: memref<!tpu.dma_semaphore, #tpu.memory_space<semaphore_mem>>) attributes {dimension_semantics = [#tpu.dimension_semantics<core_parallel>, #tpu.dimension_semantics<subcore_parallel>], iteration_bounds = array<i64: 2, 16>, scalar_prefetch = 0 : i64, scratch_operands = 27 : i64, tpu.core_type = #tpu.core_type<sc_vector_subcore>, window_params = [{transform_indices = #map}, {transform_indices = #map}, {transform_indices = #map1}]} {
    %mul3A = arith.constant 2 : i32
    %mul3A_0 = arith.muli %arg1, %mul3A : i32
    %add3A = arith.addi %mul3A_0, %arg0 : i32
    %mul3A_1 = arith.constant 128 : i32
    %mul3A_2 = arith.muli %add3A, %mul3A_1 : i32
    %mul3A_3 = arith.constant 6400 : i32
    %mul3A_4 = arith.muli %add3A, %mul3A_3 : i32
    %multiple_of3A = tpu.assume_multiple %mul3A_4, 6400 : i32
    %eq3A = arith.constant 0 : i32
    %eq3A_5 = arith.cmpi eq, %arg1, %eq3A : i32
    %convert_element_type3A = arith.extui %eq3A_5 : i1 to i32
    %cond3A = arith.constant 0 : i32
    %cond3A_6 = arith.cmpi ne, %convert_element_type3A, %cond3A : i32
    scf.if %cond3A_6 {
      "tpu.region"() ({
        %run_scoped3A = tpu.sem_alloc : memref<!tpu.dma_semaphore, #tpu.memory_space<semaphore_mem>>
        tpu.enqueue_dma source(%arg3 : memref<56x128xf32, #tpu.memory_space<hbm>>) target(%arg15 : memref<56x128xf32, #tpu.memory_space<vmem_shared>>) target_semaphore(%run_scoped3A : memref<!tpu.dma_semaphore, #tpu.memory_space<semaphore_mem>>)
        tpu.wait_dma2 semaphore(%run_scoped3A : memref<!tpu.dma_semaphore, #tpu.memory_space<semaphore_mem>>) src(%arg3 : memref<56x128xf32, #tpu.memory_space<hbm>>) dst(%arg15 : memref<56x128xf32, #tpu.memory_space<vmem_shared>>)
        tpu.yield
      }) : () -> ()
    } else {
    }
    %barrier3A = arith.constant 0 : index
    tpu.barrier barrier_id(%barrier3A)
    "tpu.region"() ({
      %run_scoped3A = tpu.sem_alloc : memref<!tpu.dma_semaphore, #tpu.memory_space<semaphore_mem>>
      %dma_start3A = arith.constant 0 : i32
      %dma_start3A_145 = tpu.memref_slice %arg2[%mul3A_2, %dma_start3A] : memref<4096x100xi32, #tpu.memory_space<hbm>> -> memref<128x100xi32, #tpu.memory_space<hbm>>
      %dma_start3A_146 = arith.constant 0 : i32
      %dma_start3A_147 = tpu.memref_slice %arg2[%mul3A_2, %dma_start3A_146] : memref<4096x100xi32, #tpu.memory_space<hbm>> -> memref<128x100xi32, #tpu.memory_space<hbm>>
      tpu.enqueue_dma source(%dma_start3A_147 : memref<128x100xi32, #tpu.memory_space<hbm>>) target(%arg5 : memref<128x100xi32, #tpu.memory_space<vmem>>) target_semaphore(%run_scoped3A : memref<!tpu.dma_semaphore, #tpu.memory_space<semaphore_mem>>)
      %dma_wait3A_148 = arith.constant 0 : i32
      %dma_wait3A_149 = tpu.memref_slice %arg2[%mul3A_2, %dma_wait3A_148] : memref<4096x100xi32, #tpu.memory_space<hbm>> -> memref<128x100xi32, #tpu.memory_space<hbm>>
      %dma_wait3A_150 = arith.constant 0 : i32
      %dma_wait3A_151 = tpu.memref_slice %arg2[%mul3A_2, %dma_wait3A_150] : memref<4096x100xi32, #tpu.memory_space<hbm>> -> memref<128x100xi32, #tpu.memory_space<hbm>>
      tpu.wait_dma2 semaphore(%run_scoped3A : memref<!tpu.dma_semaphore, #tpu.memory_space<semaphore_mem>>) src(%dma_wait3A_151 : memref<128x100xi32, #tpu.memory_space<hbm>>) dst(%arg5 : memref<128x100xi32, #tpu.memory_space<vmem>>)
      tpu.yield
    }) : () -> ()
    %scan3A = arith.constant 0 : i32
    %scan3A_7 = arith.constant 0 : i32
    %scan3A_8 = arith.constant 128 : i32
    %scan3A_9 = arith.addi %scan3A_7, %scan3A_8 : i32
    %scan3A_10 = arith.constant 1 : i32
    scf.for %scan3A_145 = %scan3A_7 to %scan3A_9 step %scan3A_10  : i32 {
      %mul3A_146 = arith.constant 56 : i32
      %mul3A_147 = arith.muli %scan3A_145, %mul3A_146 : i32
      %multiple_of3A_148 = tpu.assume_multiple %mul3A_147, 56 : i32
      %broadcast_in_dim3A = vector.broadcast %scan3A_145 : i32 to vector<16xi32>
      %iota3A = tpu.iota {dimensions = array<i32: 0>} : vector<16xi32>
      %add3A_149 = arith.constant 0 : i32
      %add3A_150 = vector.broadcast %add3A_149 : i32 to vector<16xi32>
      %add3A_151 = arith.addi %iota3A, %add3A_150 : vector<16xi32>
      %min3A = arith.constant 49 : i32
      %min3A_152 = vector.broadcast %min3A : i32 to vector<16xi32>
      %min3A_153 = arith.minsi %add3A_151, %min3A_152 : vector<16xi32>
      %mul3A_154 = arith.constant 2 : i32
      %mul3A_155 = vector.broadcast %mul3A_154 : i32 to vector<16xi32>
      %mul3A_156 = arith.muli %mul3A_155, %min3A_153 : vector<16xi32>
      %gather3A = tpu.vector_load_idx %arg5[%broadcast_in_dim3A, %mul3A_156] : memref<128x100xi32, #tpu.memory_space<vmem>>[vector<16xi32>, vector<16xi32>], vector<16xi32>,
      %add3A_157 = arith.constant 1 : i32
      %add3A_158 = vector.broadcast %add3A_157 : i32 to vector<16xi32>
      %add3A_159 = arith.addi %mul3A_156, %add3A_158 : vector<16xi32>
      %gather3A_160 = tpu.vector_load_idx %arg5[%broadcast_in_dim3A, %add3A_159] : memref<128x100xi32, #tpu.memory_space<vmem>>[vector<16xi32>, vector<16xi32>], vector<16xi32>,
      %mul3A_161 = arith.constant 4 : i32
      %mul3A_162 = vector.broadcast %mul3A_161 : i32 to vector<16xi32>
      %mul3A_163 = arith.muli %gather3A, %mul3A_162 : vector<16xi32>
      %add3A_164 = arith.addi %mul3A_163, %gather3A_160 : vector<16xi32>
      %add3A_165 = arith.constant 0 : i32
      %add3A_166 = arith.addi %multiple_of3A_148, %add3A_165 : i32
      %swap3A = arith.index_cast %add3A_166 : i32 to index
      %swap3A_167 = tpu.vector_load %arg6[%swap3A] {strides = array<i32>} : memref<7184xi32, #tpu.memory_space<vmem>>, vector<16xi32>,
      tpu.vector_store %arg6[%swap3A], %add3A_164 {strides = array<i32>} : memref<7184xi32, #tpu.memory_space<vmem>>, vector<16xi32>,
      %iota3A_168 = tpu.iota {dimensions = array<i32: 0>} : vector<16xi32>
      %add3A_169 = arith.constant 16 : i32
      %add3A_170 = vector.broadcast %add3A_169 : i32 to vector<16xi32>
      %add3A_171 = arith.addi %iota3A_168, %add3A_170 : vector<16xi32>
      %min3A_172 = arith.constant 49 : i32
      %min3A_173 = vector.broadcast %min3A_172 : i32 to vector<16xi32>
      %min3A_174 = arith.minsi %add3A_171, %min3A_173 : vector<16xi32>
      %mul3A_175 = arith.constant 2 : i32
      %mul3A_176 = vector.broadcast %mul3A_175 : i32 to vector<16xi32>
      %mul3A_177 = arith.muli %mul3A_176, %min3A_174 : vector<16xi32>
      %gather3A_178 = tpu.vector_load_idx %arg5[%broadcast_in_dim3A, %mul3A_177] : memref<128x100xi32, #tpu.memory_space<vmem>>[vector<16xi32>, vector<16xi32>], vector<16xi32>,
      %add3A_179 = arith.constant 1 : i32
      %add3A_180 = vector.broadcast %add3A_179 : i32 to vector<16xi32>
      %add3A_181 = arith.addi %mul3A_177, %add3A_180 : vector<16xi32>
      %gather3A_182 = tpu.vector_load_idx %arg5[%broadcast_in_dim3A, %add3A_181] : memref<128x100xi32, #tpu.memory_space<vmem>>[vector<16xi32>, vector<16xi32>], vector<16xi32>,
      %mul3A_183 = arith.constant 4 : i32
      %mul3A_184 = vector.broadcast %mul3A_183 : i32 to vector<16xi32>
      %mul3A_185 = arith.muli %gather3A_178, %mul3A_184 : vector<16xi32>
      %add3A_186 = arith.addi %mul3A_185, %gather3A_182 : vector<16xi32>
      %add3A_187 = arith.constant 16 : i32
      %add3A_188 = arith.addi %multiple_of3A_148, %add3A_187 : i32
      %swap3A_189 = arith.index_cast %add3A_188 : i32 to index
      %swap3A_190 = tpu.vector_load %arg6[%swap3A_189] {strides = array<i32>} : memref<7184xi32, #tpu.memory_space<vmem>>, vector<16xi32>,
      tpu.vector_store %arg6[%swap3A_189], %add3A_186 {strides = array<i32>} : memref<7184xi32, #tpu.memory_space<vmem>>, vector<16xi32>,
      %iota3A_191 = tpu.iota {dimensions = array<i32: 0>} : vector<16xi32>
      %add3A_192 = arith.constant 32 : i32
      %add3A_193 = vector.broadcast %add3A_192 : i32 to vector<16xi32>
      %add3A_194 = arith.addi %iota3A_191, %add3A_193 : vector<16xi32>
      %min3A_195 = arith.constant 49 : i32
      %min3A_196 = vector.broadcast %min3A_195 : i32 to vector<16xi32>
      %min3A_197 = arith.minsi %add3A_194, %min3A_196 : vector<16xi32>
      %mul3A_198 = arith.constant 2 : i32
      %mul3A_199 = vector.broadcast %mul3A_198 : i32 to vector<16xi32>
      %mul3A_200 = arith.muli %mul3A_199, %min3A_197 : vector<16xi32>
      %gather3A_201 = tpu.vector_load_idx %arg5[%broadcast_in_dim3A, %mul3A_200] : memref<128x100xi32, #tpu.memory_space<vmem>>[vector<16xi32>, vector<16xi32>], vector<16xi32>,
      %add3A_202 = arith.constant 1 : i32
      %add3A_203 = vector.broadcast %add3A_202 : i32 to vector<16xi32>
      %add3A_204 = arith.addi %mul3A_200, %add3A_203 : vector<16xi32>
      %gather3A_205 = tpu.vector_load_idx %arg5[%broadcast_in_dim3A, %add3A_204] : memref<128x100xi32, #tpu.memory_space<vmem>>[vector<16xi32>, vector<16xi32>], vector<16xi32>,
      %mul3A_206 = arith.constant 4 : i32
      %mul3A_207 = vector.broadcast %mul3A_206 : i32 to vector<16xi32>
      %mul3A_208 = arith.muli %gather3A_201, %mul3A_207 : vector<16xi32>
      %add3A_209 = arith.addi %mul3A_208, %gather3A_205 : vector<16xi32>
      %add3A_210 = arith.constant 32 : i32
      %add3A_211 = arith.addi %multiple_of3A_148, %add3A_210 : i32
      %swap3A_212 = arith.index_cast %add3A_211 : i32 to index
      %swap3A_213 = tpu.vector_load %arg6[%swap3A_212] {strides = array<i32>} : memref<7184xi32, #tpu.memory_space<vmem>>, vector<16xi32>,
      tpu.vector_store %arg6[%swap3A_212], %add3A_209 {strides = array<i32>} : memref<7184xi32, #tpu.memory_space<vmem>>, vector<16xi32>,
      %iota3A_214 = tpu.iota {dimensions = array<i32: 0>} : vector<16xi32>
      %add3A_215 = arith.constant 48 : i32
      %add3A_216 = vector.broadcast %add3A_215 : i32 to vector<16xi32>
      %add3A_217 = arith.addi %iota3A_214, %add3A_216 : vector<16xi32>
      %min3A_218 = arith.constant 49 : i32
      %min3A_219 = vector.broadcast %min3A_218 : i32 to vector<16xi32>
      %min3A_220 = arith.minsi %add3A_217, %min3A_219 : vector<16xi32>
      %mul3A_221 = arith.constant 2 : i32
      %mul3A_222 = vector.broadcast %mul3A_221 : i32 to vector<16xi32>
      %mul3A_223 = arith.muli %mul3A_222, %min3A_220 : vector<16xi32>
      %gather3A_224 = tpu.vector_load_idx %arg5[%broadcast_in_dim3A, %mul3A_223] : memref<128x100xi32, #tpu.memory_space<vmem>>[vector<16xi32>, vector<16xi32>], vector<16xi32>,
      %add3A_225 = arith.constant 1 : i32
      %add3A_226 = vector.broadcast %add3A_225 : i32 to vector<16xi32>
      %add3A_227 = arith.addi %mul3A_223, %add3A_226 : vector<16xi32>
      %gather3A_228 = tpu.vector_load_idx %arg5[%broadcast_in_dim3A, %add3A_227] : memref<128x100xi32, #tpu.memory_space<vmem>>[vector<16xi32>, vector<16xi32>], vector<16xi32>,
      %mul3A_229 = arith.constant 4 : i32
      %mul3A_230 = vector.broadcast %mul3A_229 : i32 to vector<16xi32>
      %mul3A_231 = arith.muli %gather3A_224, %mul3A_230 : vector<16xi32>
      %add3A_232 = arith.addi %mul3A_231, %gather3A_228 : vector<16xi32>
      %add3A_233 = arith.constant 48 : i32
      %add3A_234 = arith.addi %multiple_of3A_148, %add3A_233 : i32
      %swap3A_235 = arith.index_cast %add3A_234 : i32 to index
      %swap3A_236 = tpu.vector_load %arg6[%swap3A_235] {strides = array<i32>} : memref<7184xi32, #tpu.memory_space<vmem>>, vector<16xi32>,
      tpu.vector_store %arg6[%swap3A_235], %add3A_232 {strides = array<i32>} : memref<7184xi32, #tpu.memory_space<vmem>>, vector<16xi32>,
    }
    %scan3A_11 = arith.constant 128 : i32
    %scan3A_12 = arith.constant 0 : i32
    %scan3A_13 = arith.constant 0 : i32
    %scan3A_14 = arith.constant 16 : i32
    %scan3A_15 = arith.addi %scan3A_13, %scan3A_14 : i32
    %scan3A_16 = arith.constant 1 : i32
    scf.for %scan3A_145 = %scan3A_13 to %scan3A_15 step %scan3A_16  : i32 {
      %mul3A_146 = arith.constant 8 : i32
      %mul3A_147 = arith.muli %scan3A_145, %mul3A_146 : i32
      %gt3A = arith.constant 0 : i32
      %gt3A_148 = arith.cmpi sgt, %scan3A_145, %gt3A : i32
      %convert_element_type3A_149 = arith.extui %gt3A_148 : i1 to i32
      %cond3A_150 = arith.constant 0 : i32
      %cond3A_151 = arith.cmpi ne, %convert_element_type3A_149, %cond3A_150 : i32
      scf.if %cond3A_151 {
        %add3A_466 = arith.constant 0 : i32
        %add3A_467 = arith.addi %mul3A_147, %add3A_466 : i32
        %add3A_468 = arith.addi %mul3A_2, %add3A_467 : i32
        %dma_wait3A_469 = arith.constant 0 : i32
        %dma_wait3A_470 = arith.constant 0 : i32
        %dma_wait3A_471 = tpu.memref_slice %arg7[%dma_wait3A_469, %dma_wait3A_470] : memref<56x128xf32, #tpu.memory_space<vmem>> -> memref<50x128xf32, #tpu.memory_space<vmem>>
        %dma_wait3A_472 = arith.constant 0 : i32
        %dma_wait3A_473 = arith.constant 0 : i32
        %dma_wait3A_474 = tpu.memref_slice %arg4[%add3A_468, %dma_wait3A_472, %dma_wait3A_473] : memref<4096x50x128xf32, #tpu.memory_space<hbm>> -> memref<1x50x128xf32, #tpu.memory_space<hbm>>
        %dma_wait3A_475 = tpu.memref_squeeze %dma_wait3A_474 : memref<1x50x128xf32, #tpu.memory_space<hbm>> -> memref<50x128xf32, #tpu.memory_space<hbm>>
        %dma_wait3A_476 = arith.constant 0 : i32
        %dma_wait3A_477 = arith.constant 0 : i32
        %dma_wait3A_478 = tpu.memref_slice %arg4[%add3A_468, %dma_wait3A_476, %dma_wait3A_477] : memref<4096x50x128xf32, #tpu.memory_space<hbm>> -> memref<1x50x128xf32, #tpu.memory_space<hbm>>
        %dma_wait3A_479 = tpu.memref_squeeze %dma_wait3A_478 : memref<1x50x128xf32, #tpu.memory_space<hbm>> -> memref<50x128xf32, #tpu.memory_space<hbm>>
        %dma_wait3A_480 = arith.constant 0 : i32
        %dma_wait3A_481 = arith.constant 0 : i32
        %dma_wait3A_482 = tpu.memref_slice %arg7[%dma_wait3A_480, %dma_wait3A_481] : memref<56x128xf32, #tpu.memory_space<vmem>> -> memref<50x128xf32, #tpu.memory_space<vmem>>
        tpu.wait_dma2 semaphore(%arg24 : memref<!tpu.dma_semaphore, #tpu.memory_space<semaphore_mem>>) src(%dma_wait3A_482 : memref<50x128xf32, #tpu.memory_space<vmem>>) dst(%dma_wait3A_479 : memref<50x128xf32, #tpu.memory_space<hbm>>)
      } else {
      }
      %add3A_152 = arith.constant 0 : i32
      %add3A_153 = arith.addi %mul3A_147, %add3A_152 : i32
      %mul3A_154 = arith.constant 56 : i32
      %mul3A_155 = arith.muli %add3A_153, %mul3A_154 : i32
      %multiple_of3A_156 = tpu.assume_multiple %mul3A_155, 56 : i32
      %dma_start3A = tpu.memref_slice %arg6[%multiple_of3A_156] : memref<7184xi32, #tpu.memory_space<vmem>> -> memref<56xi32, #tpu.memory_space<vmem>>
      %dma_start3A_157 = arith.constant 0 : i32
      %dma_start3A_158 = arith.constant 0 : i32
      %dma_start3A_159 = tpu.memref_slice %arg15[%dma_start3A_157, %dma_start3A_158] : memref<56x128xf32, #tpu.memory_space<vmem_shared>> -> memref<56x128xf32, #tpu.memory_space<vmem_shared>>
      tpu.enqueue_indirect_dma source(%dma_start3A_159 : memref<56x128xf32, #tpu.memory_space<vmem_shared>>) target(%arg7 : memref<56x128xf32, #tpu.memory_space<vmem>>) offsets(%dma_start3A : memref<56xi32, #tpu.memory_space<vmem>>) semaphore(%arg16 : memref<!tpu.dma_semaphore, #tpu.memory_space<semaphore_mem>>)
      %gt3A_160 = arith.constant 0 : i32
      %gt3A_161 = arith.cmpi sgt, %scan3A_145, %gt3A_160 : i32
      %convert_element_type3A_162 = arith.extui %gt3A_161 : i1 to i32
      %cond3A_163 = arith.constant 0 : i32
      %cond3A_164 = arith.cmpi ne, %convert_element_type3A_162, %cond3A_163 : i32
      scf.if %cond3A_164 {
        %add3A_466 = arith.constant 1 : i32
        %add3A_467 = arith.addi %mul3A_147, %add3A_466 : i32
        %add3A_468 = arith.addi %mul3A_2, %add3A_467 : i32
        %dma_wait3A_469 = arith.constant 0 : i32
        %dma_wait3A_470 = arith.constant 0 : i32
        %dma_wait3A_471 = tpu.memref_slice %arg8[%dma_wait3A_469, %dma_wait3A_470] : memref<56x128xf32, #tpu.memory_space<vmem>> -> memref<50x128xf32, #tpu.memory_space<vmem>>
        %dma_wait3A_472 = arith.constant 0 : i32
        %dma_wait3A_473 = arith.constant 0 : i32
        %dma_wait3A_474 = tpu.memref_slice %arg4[%add3A_468, %dma_wait3A_472, %dma_wait3A_473] : memref<4096x50x128xf32, #tpu.memory_space<hbm>> -> memref<1x50x128xf32, #tpu.memory_space<hbm>>
        %dma_wait3A_475 = tpu.memref_squeeze %dma_wait3A_474 : memref<1x50x128xf32, #tpu.memory_space<hbm>> -> memref<50x128xf32, #tpu.memory_space<hbm>>
        %dma_wait3A_476 = arith.constant 0 : i32
        %dma_wait3A_477 = arith.constant 0 : i32
        %dma_wait3A_478 = tpu.memref_slice %arg4[%add3A_468, %dma_wait3A_476, %dma_wait3A_477] : memref<4096x50x128xf32, #tpu.memory_space<hbm>> -> memref<1x50x128xf32, #tpu.memory_space<hbm>>
        %dma_wait3A_479 = tpu.memref_squeeze %dma_wait3A_478 : memref<1x50x128xf32, #tpu.memory_space<hbm>> -> memref<50x128xf32, #tpu.memory_space<hbm>>
        %dma_wait3A_480 = arith.constant 0 : i32
        %dma_wait3A_481 = arith.constant 0 : i32
        %dma_wait3A_482 = tpu.memref_slice %arg8[%dma_wait3A_480, %dma_wait3A_481] : memref<56x128xf32, #tpu.memory_space<vmem>> -> memref<50x128xf32, #tpu.memory_space<vmem>>
        tpu.wait_dma2 semaphore(%arg25 : memref<!tpu.dma_semaphore, #tpu.memory_space<semaphore_mem>>) src(%dma_wait3A_482 : memref<50x128xf32, #tpu.memory_space<vmem>>) dst(%dma_wait3A_479 : memref<50x128xf32, #tpu.memory_space<hbm>>)
      } else {
      }
      %add3A_165 = arith.constant 1 : i32
      %add3A_166 = arith.addi %mul3A_147, %add3A_165 : i32
      %mul3A_167 = arith.constant 56 : i32
      %mul3A_168 = arith.muli %add3A_166, %mul3A_167 : i32
      %multiple_of3A_169 = tpu.assume_multiple %mul3A_168, 56 : i32
      %dma_start3A_170 = tpu.memref_slice %arg6[%multiple_of3A_169] : memref<7184xi32, #tpu.memory_space<vmem>> -> memref<56xi32, #tpu.memory_space<vmem>>
      %dma_start3A_171 = arith.constant 0 : i32
      %dma_start3A_172 = arith.constant 0 : i32
      %dma_start3A_173 = tpu.memref_slice %arg15[%dma_start3A_171, %dma_start3A_172] : memref<56x128xf32, #tpu.memory_space<vmem_shared>> -> memref<56x128xf32, #tpu.memory_space<vmem_shared>>
      tpu.enqueue_indirect_dma source(%dma_start3A_173 : memref<56x128xf32, #tpu.memory_space<vmem_shared>>) target(%arg8 : memref<56x128xf32, #tpu.memory_space<vmem>>) offsets(%dma_start3A_170 : memref<56xi32, #tpu.memory_space<vmem>>) semaphore(%arg17 : memref<!tpu.dma_semaphore, #tpu.memory_space<semaphore_mem>>)
      %gt3A_174 = arith.constant 0 : i32
      %gt3A_175 = arith.cmpi sgt, %scan3A_145, %gt3A_174 : i32
      %convert_element_type3A_176 = arith.extui %gt3A_175 : i1 to i32
      %cond3A_177 = arith.constant 0 : i32
      %cond3A_178 = arith.cmpi ne, %convert_element_type3A_176, %cond3A_177 : i32
      scf.if %cond3A_178 {
        %add3A_466 = arith.constant 2 : i32
        %add3A_467 = arith.addi %mul3A_147, %add3A_466 : i32
        %add3A_468 = arith.addi %mul3A_2, %add3A_467 : i32
        %dma_wait3A_469 = arith.constant 0 : i32
        %dma_wait3A_470 = arith.constant 0 : i32
        %dma_wait3A_471 = tpu.memref_slice %arg9[%dma_wait3A_469, %dma_wait3A_470] : memref<56x128xf32, #tpu.memory_space<vmem>> -> memref<50x128xf32, #tpu.memory_space<vmem>>
        %dma_wait3A_472 = arith.constant 0 : i32
        %dma_wait3A_473 = arith.constant 0 : i32
        %dma_wait3A_474 = tpu.memref_slice %arg4[%add3A_468, %dma_wait3A_472, %dma_wait3A_473] : memref<4096x50x128xf32, #tpu.memory_space<hbm>> -> memref<1x50x128xf32, #tpu.memory_space<hbm>>
        %dma_wait3A_475 = tpu.memref_squeeze %dma_wait3A_474 : memref<1x50x128xf32, #tpu.memory_space<hbm>> -> memref<50x128xf32, #tpu.memory_space<hbm>>
        %dma_wait3A_476 = arith.constant 0 : i32
        %dma_wait3A_477 = arith.constant 0 : i32
        %dma_wait3A_478 = tpu.memref_slice %arg4[%add3A_468, %dma_wait3A_476, %dma_wait3A_477] : memref<4096x50x128xf32, #tpu.memory_space<hbm>> -> memref<1x50x128xf32, #tpu.memory_space<hbm>>
        %dma_wait3A_479 = tpu.memref_squeeze %dma_wait3A_478 : memref<1x50x128xf32, #tpu.memory_space<hbm>> -> memref<50x128xf32, #tpu.memory_space<hbm>>
        %dma_wait3A_480 = arith.constant 0 : i32
        %dma_wait3A_481 = arith.constant 0 : i32
        %dma_wait3A_482 = tpu.memref_slice %arg9[%dma_wait3A_480, %dma_wait3A_481] : memref<56x128xf32, #tpu.memory_space<vmem>> -> memref<50x128xf32, #tpu.memory_space<vmem>>
        tpu.wait_dma2 semaphore(%arg26 : memref<!tpu.dma_semaphore, #tpu.memory_space<semaphore_mem>>) src(%dma_wait3A_482 : memref<50x128xf32, #tpu.memory_space<vmem>>) dst(%dma_wait3A_479 : memref<50x128xf32, #tpu.memory_space<hbm>>)
      } else {
      }
      %add3A_179 = arith.constant 2 : i32
      %add3A_180 = arith.addi %mul3A_147, %add3A_179 : i32
      %mul3A_181 = arith.constant 56 : i32
      %mul3A_182 = arith.muli %add3A_180, %mul3A_181 : i32
      %multiple_of3A_183 = tpu.assume_multiple %mul3A_182, 56 : i32
      %dma_start3A_184 = tpu.memref_slice %arg6[%multiple_of3A_183] : memref<7184xi32, #tpu.memory_space<vmem>> -> memref<56xi32, #tpu.memory_space<vmem>>
      %dma_start3A_185 = arith.constant 0 : i32
      %dma_start3A_186 = arith.constant 0 : i32
      %dma_start3A_187 = tpu.memref_slice %arg15[%dma_start3A_185, %dma_start3A_186] : memref<56x128xf32, #tpu.memory_space<vmem_shared>> -> memref<56x128xf32, #tpu.memory_space<vmem_shared>>
      tpu.enqueue_indirect_dma source(%dma_start3A_187 : memref<56x128xf32, #tpu.memory_space<vmem_shared>>) target(%arg9 : memref<56x128xf32, #tpu.memory_space<vmem>>) offsets(%dma_start3A_184 : memref<56xi32, #tpu.memory_space<vmem>>) semaphore(%arg18 : memref<!tpu.dma_semaphore, #tpu.memory_space<semaphore_mem>>)
      %gt3A_188 = arith.constant 0 : i32
      %gt3A_189 = arith.cmpi sgt, %scan3A_145, %gt3A_188 : i32
      %convert_element_type3A_190 = arith.extui %gt3A_189 : i1 to i32
      %cond3A_191 = arith.constant 0 : i32
      %cond3A_192 = arith.cmpi ne, %convert_element_type3A_190, %cond3A_191 : i32
      scf.if %cond3A_192 {
        %add3A_466 = arith.constant 3 : i32
        %add3A_467 = arith.addi %mul3A_147, %add3A_466 : i32
        %add3A_468 = arith.addi %mul3A_2, %add3A_467 : i32
        %dma_wait3A_469 = arith.constant 0 : i32
        %dma_wait3A_470 = arith.constant 0 : i32
        %dma_wait3A_471 = tpu.memref_slice %arg10[%dma_wait3A_469, %dma_wait3A_470] : memref<56x128xf32, #tpu.memory_space<vmem>> -> memref<50x128xf32, #tpu.memory_space<vmem>>
        %dma_wait3A_472 = arith.constant 0 : i32
        %dma_wait3A_473 = arith.constant 0 : i32
        %dma_wait3A_474 = tpu.memref_slice %arg4[%add3A_468, %dma_wait3A_472, %dma_wait3A_473] : memref<4096x50x128xf32, #tpu.memory_space<hbm>> -> memref<1x50x128xf32, #tpu.memory_space<hbm>>
        %dma_wait3A_475 = tpu.memref_squeeze %dma_wait3A_474 : memref<1x50x128xf32, #tpu.memory_space<hbm>> -> memref<50x128xf32, #tpu.memory_space<hbm>>
        %dma_wait3A_476 = arith.constant 0 : i32
        %dma_wait3A_477 = arith.constant 0 : i32
        %dma_wait3A_478 = tpu.memref_slice %arg4[%add3A_468, %dma_wait3A_476, %dma_wait3A_477] : memref<4096x50x128xf32, #tpu.memory_space<hbm>> -> memref<1x50x128xf32, #tpu.memory_space<hbm>>
        %dma_wait3A_479 = tpu.memref_squeeze %dma_wait3A_478 : memref<1x50x128xf32, #tpu.memory_space<hbm>> -> memref<50x128xf32, #tpu.memory_space<hbm>>
        %dma_wait3A_480 = arith.constant 0 : i32
        %dma_wait3A_481 = arith.constant 0 : i32
        %dma_wait3A_482 = tpu.memref_slice %arg10[%dma_wait3A_480, %dma_wait3A_481] : memref<56x128xf32, #tpu.memory_space<vmem>> -> memref<50x128xf32, #tpu.memory_space<vmem>>
        tpu.wait_dma2 semaphore(%arg27 : memref<!tpu.dma_semaphore, #tpu.memory_space<semaphore_mem>>) src(%dma_wait3A_482 : memref<50x128xf32, #tpu.memory_space<vmem>>) dst(%dma_wait3A_479 : memref<50x128xf32, #tpu.memory_space<hbm>>)
      } else {
      }
      %add3A_193 = arith.constant 3 : i32
      %add3A_194 = arith.addi %mul3A_147, %add3A_193 : i32
      %mul3A_195 = arith.constant 56 : i32
      %mul3A_196 = arith.muli %add3A_194, %mul3A_195 : i32
      %multiple_of3A_197 = tpu.assume_multiple %mul3A_196, 56 : i32
      %dma_start3A_198 = tpu.memref_slice %arg6[%multiple_of3A_197] : memref<7184xi32, #tpu.memory_space<vmem>> -> memref<56xi32, #tpu.memory_space<vmem>>
      %dma_start3A_199 = arith.constant 0 : i32
      %dma_start3A_200 = arith.constant 0 : i32
      %dma_start3A_201 = tpu.memref_slice %arg15[%dma_start3A_199, %dma_start3A_200] : memref<56x128xf32, #tpu.memory_space<vmem_shared>> -> memref<56x128xf32, #tpu.memory_space<vmem_shared>>
      tpu.enqueue_indirect_dma source(%dma_start3A_201 : memref<56x128xf32, #tpu.memory_space<vmem_shared>>) target(%arg10 : memref<56x128xf32, #tpu.memory_space<vmem>>) offsets(%dma_start3A_198 : memref<56xi32, #tpu.memory_space<vmem>>) semaphore(%arg19 : memref<!tpu.dma_semaphore, #tpu.memory_space<semaphore_mem>>)
      %gt3A_202 = arith.constant 0 : i32
      %gt3A_203 = arith.cmpi sgt, %scan3A_145, %gt3A_202 : i32
      %convert_element_type3A_204 = arith.extui %gt3A_203 : i1 to i32
      %cond3A_205 = arith.constant 0 : i32
      %cond3A_206 = arith.cmpi ne, %convert_element_type3A_204, %cond3A_205 : i32
      scf.if %cond3A_206 {
        %add3A_466 = arith.constant 4 : i32
        %add3A_467 = arith.addi %mul3A_147, %add3A_466 : i32
        %add3A_468 = arith.addi %mul3A_2, %add3A_467 : i32
        %dma_wait3A_469 = arith.constant 0 : i32
        %dma_wait3A_470 = arith.constant 0 : i32
        %dma_wait3A_471 = tpu.memref_slice %arg11[%dma_wait3A_469, %dma_wait3A_470] : memref<56x128xf32, #tpu.memory_space<vmem>> -> memref<50x128xf32, #tpu.memory_space<vmem>>
        %dma_wait3A_472 = arith.constant 0 : i32
        %dma_wait3A_473 = arith.constant 0 : i32
        %dma_wait3A_474 = tpu.memref_slice %arg4[%add3A_468, %dma_wait3A_472, %dma_wait3A_473] : memref<4096x50x128xf32, #tpu.memory_space<hbm>> -> memref<1x50x128xf32, #tpu.memory_space<hbm>>
        %dma_wait3A_475 = tpu.memref_squeeze %dma_wait3A_474 : memref<1x50x128xf32, #tpu.memory_space<hbm>> -> memref<50x128xf32, #tpu.memory_space<hbm>>
        %dma_wait3A_476 = arith.constant 0 : i32
        %dma_wait3A_477 = arith.constant 0 : i32
        %dma_wait3A_478 = tpu.memref_slice %arg4[%add3A_468, %dma_wait3A_476, %dma_wait3A_477] : memref<4096x50x128xf32, #tpu.memory_space<hbm>> -> memref<1x50x128xf32, #tpu.memory_space<hbm>>
        %dma_wait3A_479 = tpu.memref_squeeze %dma_wait3A_478 : memref<1x50x128xf32, #tpu.memory_space<hbm>> -> memref<50x128xf32, #tpu.memory_space<hbm>>
        %dma_wait3A_480 = arith.constant 0 : i32
        %dma_wait3A_481 = arith.constant 0 : i32
        %dma_wait3A_482 = tpu.memref_slice %arg11[%dma_wait3A_480, %dma_wait3A_481] : memref<56x128xf32, #tpu.memory_space<vmem>> -> memref<50x128xf32, #tpu.memory_space<vmem>>
        tpu.wait_dma2 semaphore(%arg28 : memref<!tpu.dma_semaphore, #tpu.memory_space<semaphore_mem>>) src(%dma_wait3A_482 : memref<50x128xf32, #tpu.memory_space<vmem>>) dst(%dma_wait3A_479 : memref<50x128xf32, #tpu.memory_space<hbm>>)
      } else {
      }
      %add3A_207 = arith.constant 4 : i32
      %add3A_208 = arith.addi %mul3A_147, %add3A_207 : i32
      %mul3A_209 = arith.constant 56 : i32
      %mul3A_210 = arith.muli %add3A_208, %mul3A_209 : i32
      %multiple_of3A_211 = tpu.assume_multiple %mul3A_210, 56 : i32
      %dma_start3A_212 = tpu.memref_slice %arg6[%multiple_of3A_211] : memref<7184xi32, #tpu.memory_space<vmem>> -> memref<56xi32, #tpu.memory_space<vmem>>
      %dma_start3A_213 = arith.constant 0 : i32
      %dma_start3A_214 = arith.constant 0 : i32
      %dma_start3A_215 = tpu.memref_slice %arg15[%dma_start3A_213, %dma_start3A_214] : memref<56x128xf32, #tpu.memory_space<vmem_shared>> -> memref<56x128xf32, #tpu.memory_space<vmem_shared>>
      tpu.enqueue_indirect_dma source(%dma_start3A_215 : memref<56x128xf32, #tpu.memory_space<vmem_shared>>) target(%arg11 : memref<56x128xf32, #tpu.memory_space<vmem>>) offsets(%dma_start3A_212 : memref<56xi32, #tpu.memory_space<vmem>>) semaphore(%arg20 : memref<!tpu.dma_semaphore, #tpu.memory_space<semaphore_mem>>)
      %gt3A_216 = arith.constant 0 : i32
      %gt3A_217 = arith.cmpi sgt, %scan3A_145, %gt3A_216 : i32
      %convert_element_type3A_218 = arith.extui %gt3A_217 : i1 to i32
      %cond3A_219 = arith.constant 0 : i32
      %cond3A_220 = arith.cmpi ne, %convert_element_type3A_218, %cond3A_219 : i32
      scf.if %cond3A_220 {
        %add3A_466 = arith.constant 5 : i32
        %add3A_467 = arith.addi %mul3A_147, %add3A_466 : i32
        %add3A_468 = arith.addi %mul3A_2, %add3A_467 : i32
        %dma_wait3A_469 = arith.constant 0 : i32
        %dma_wait3A_470 = arith.constant 0 : i32
        %dma_wait3A_471 = tpu.memref_slice %arg12[%dma_wait3A_469, %dma_wait3A_470] : memref<56x128xf32, #tpu.memory_space<vmem>> -> memref<50x128xf32, #tpu.memory_space<vmem>>
        %dma_wait3A_472 = arith.constant 0 : i32
        %dma_wait3A_473 = arith.constant 0 : i32
        %dma_wait3A_474 = tpu.memref_slice %arg4[%add3A_468, %dma_wait3A_472, %dma_wait3A_473] : memref<4096x50x128xf32, #tpu.memory_space<hbm>> -> memref<1x50x128xf32, #tpu.memory_space<hbm>>
        %dma_wait3A_475 = tpu.memref_squeeze %dma_wait3A_474 : memref<1x50x128xf32, #tpu.memory_space<hbm>> -> memref<50x128xf32, #tpu.memory_space<hbm>>
        %dma_wait3A_476 = arith.constant 0 : i32
        %dma_wait3A_477 = arith.constant 0 : i32
        %dma_wait3A_478 = tpu.memref_slice %arg4[%add3A_468, %dma_wait3A_476, %dma_wait3A_477] : memref<4096x50x128xf32, #tpu.memory_space<hbm>> -> memref<1x50x128xf32, #tpu.memory_space<hbm>>
        %dma_wait3A_479 = tpu.memref_squeeze %dma_wait3A_478 : memref<1x50x128xf32, #tpu.memory_space<hbm>> -> memref<50x128xf32, #tpu.memory_space<hbm>>
        %dma_wait3A_480 = arith.constant 0 : i32
        %dma_wait3A_481 = arith.constant 0 : i32
        %dma_wait3A_482 = tpu.memref_slice %arg12[%dma_wait3A_480, %dma_wait3A_481] : memref<56x128xf32, #tpu.memory_space<vmem>> -> memref<50x128xf32, #tpu.memory_space<vmem>>
        tpu.wait_dma2 semaphore(%arg29 : memref<!tpu.dma_semaphore, #tpu.memory_space<semaphore_mem>>) src(%dma_wait3A_482 : memref<50x128xf32, #tpu.memory_space<vmem>>) dst(%dma_wait3A_479 : memref<50x128xf32, #tpu.memory_space<hbm>>)
      } else {
      }
      %add3A_221 = arith.constant 5 : i32
      %add3A_222 = arith.addi %mul3A_147, %add3A_221 : i32
      %mul3A_223 = arith.constant 56 : i32
      %mul3A_224 = arith.muli %add3A_222, %mul3A_223 : i32
      %multiple_of3A_225 = tpu.assume_multiple %mul3A_224, 56 : i32
      %dma_start3A_226 = tpu.memref_slice %arg6[%multiple_of3A_225] : memref<7184xi32, #tpu.memory_space<vmem>> -> memref<56xi32, #tpu.memory_space<vmem>>
      %dma_start3A_227 = arith.constant 0 : i32
      %dma_start3A_228 = arith.constant 0 : i32
      %dma_start3A_229 = tpu.memref_slice %arg15[%dma_start3A_227, %dma_start3A_228] : memref<56x128xf32, #tpu.memory_space<vmem_shared>> -> memref<56x128xf32, #tpu.memory_space<vmem_shared>>
      tpu.enqueue_indirect_dma source(%dma_start3A_229 : memref<56x128xf32, #tpu.memory_space<vmem_shared>>) target(%arg12 : memref<56x128xf32, #tpu.memory_space<vmem>>) offsets(%dma_start3A_226 : memref<56xi32, #tpu.memory_space<vmem>>) semaphore(%arg21 : memref<!tpu.dma_semaphore, #tpu.memory_space<semaphore_mem>>)
      %gt3A_230 = arith.constant 0 : i32
      %gt3A_231 = arith.cmpi sgt, %scan3A_145, %gt3A_230 : i32
      %convert_element_type3A_232 = arith.extui %gt3A_231 : i1 to i32
      %cond3A_233 = arith.constant 0 : i32
      %cond3A_234 = arith.cmpi ne, %convert_element_type3A_232, %cond3A_233 : i32
      scf.if %cond3A_234 {
        %add3A_466 = arith.constant 6 : i32
        %add3A_467 = arith.addi %mul3A_147, %add3A_466 : i32
        %add3A_468 = arith.addi %mul3A_2, %add3A_467 : i32
        %dma_wait3A_469 = arith.constant 0 : i32
        %dma_wait3A_470 = arith.constant 0 : i32
        %dma_wait3A_471 = tpu.memref_slice %arg13[%dma_wait3A_469, %dma_wait3A_470] : memref<56x128xf32, #tpu.memory_space<vmem>> -> memref<50x128xf32, #tpu.memory_space<vmem>>
        %dma_wait3A_472 = arith.constant 0 : i32
        %dma_wait3A_473 = arith.constant 0 : i32
        %dma_wait3A_474 = tpu.memref_slice %arg4[%add3A_468, %dma_wait3A_472, %dma_wait3A_473] : memref<4096x50x128xf32, #tpu.memory_space<hbm>> -> memref<1x50x128xf32, #tpu.memory_space<hbm>>
        %dma_wait3A_475 = tpu.memref_squeeze %dma_wait3A_474 : memref<1x50x128xf32, #tpu.memory_space<hbm>> -> memref<50x128xf32, #tpu.memory_space<hbm>>
        %dma_wait3A_476 = arith.constant 0 : i32
        %dma_wait3A_477 = arith.constant 0 : i32
        %dma_wait3A_478 = tpu.memref_slice %arg4[%add3A_468, %dma_wait3A_476, %dma_wait3A_477] : memref<4096x50x128xf32, #tpu.memory_space<hbm>> -> memref<1x50x128xf32, #tpu.memory_space<hbm>>
        %dma_wait3A_479 = tpu.memref_squeeze %dma_wait3A_478 : memref<1x50x128xf32, #tpu.memory_space<hbm>> -> memref<50x128xf32, #tpu.memory_space<hbm>>
        %dma_wait3A_480 = arith.constant 0 : i32
        %dma_wait3A_481 = arith.constant 0 : i32
        %dma_wait3A_482 = tpu.memref_slice %arg13[%dma_wait3A_480, %dma_wait3A_481] : memref<56x128xf32, #tpu.memory_space<vmem>> -> memref<50x128xf32, #tpu.memory_space<vmem>>
        tpu.wait_dma2 semaphore(%arg30 : memref<!tpu.dma_semaphore, #tpu.memory_space<semaphore_mem>>) src(%dma_wait3A_482 : memref<50x128xf32, #tpu.memory_space<vmem>>) dst(%dma_wait3A_479 : memref<50x128xf32, #tpu.memory_space<hbm>>)
      } else {
      }
      %add3A_235 = arith.constant 6 : i32
      %add3A_236 = arith.addi %mul3A_147, %add3A_235 : i32
      %mul3A_237 = arith.constant 56 : i32
      %mul3A_238 = arith.muli %add3A_236, %mul3A_237 : i32
      %multiple_of3A_239 = tpu.assume_multiple %mul3A_238, 56 : i32
      %dma_start3A_240 = tpu.memref_slice %arg6[%multiple_of3A_239] : memref<7184xi32, #tpu.memory_space<vmem>> -> memref<56xi32, #tpu.memory_space<vmem>>
      %dma_start3A_241 = arith.constant 0 : i32
      %dma_start3A_242 = arith.constant 0 : i32
      %dma_start3A_243 = tpu.memref_slice %arg15[%dma_start3A_241, %dma_start3A_242] : memref<56x128xf32, #tpu.memory_space<vmem_shared>> -> memref<56x128xf32, #tpu.memory_space<vmem_shared>>
      tpu.enqueue_indirect_dma source(%dma_start3A_243 : memref<56x128xf32, #tpu.memory_space<vmem_shared>>) target(%arg13 : memref<56x128xf32, #tpu.memory_space<vmem>>) offsets(%dma_start3A_240 : memref<56xi32, #tpu.memory_space<vmem>>) semaphore(%arg22 : memref<!tpu.dma_semaphore, #tpu.memory_space<semaphore_mem>>)
      %gt3A_244 = arith.constant 0 : i32
      %gt3A_245 = arith.cmpi sgt, %scan3A_145, %gt3A_244 : i32
      %convert_element_type3A_246 = arith.extui %gt3A_245 : i1 to i32
      %cond3A_247 = arith.constant 0 : i32
      %cond3A_248 = arith.cmpi ne, %convert_element_type3A_246, %cond3A_247 : i32
      scf.if %cond3A_248 {
        %add3A_466 = arith.constant 7 : i32
        %add3A_467 = arith.addi %mul3A_147, %add3A_466 : i32
        %add3A_468 = arith.addi %mul3A_2, %add3A_467 : i32
        %dma_wait3A_469 = arith.constant 0 : i32
        %dma_wait3A_470 = arith.constant 0 : i32
        %dma_wait3A_471 = tpu.memref_slice %arg14[%dma_wait3A_469, %dma_wait3A_470] : memref<56x128xf32, #tpu.memory_space<vmem>> -> memref<50x128xf32, #tpu.memory_space<vmem>>
        %dma_wait3A_472 = arith.constant 0 : i32
        %dma_wait3A_473 = arith.constant 0 : i32
        %dma_wait3A_474 = tpu.memref_slice %arg4[%add3A_468, %dma_wait3A_472, %dma_wait3A_473] : memref<4096x50x128xf32, #tpu.memory_space<hbm>> -> memref<1x50x128xf32, #tpu.memory_space<hbm>>
        %dma_wait3A_475 = tpu.memref_squeeze %dma_wait3A_474 : memref<1x50x128xf32, #tpu.memory_space<hbm>> -> memref<50x128xf32, #tpu.memory_space<hbm>>
        %dma_wait3A_476 = arith.constant 0 : i32
        %dma_wait3A_477 = arith.constant 0 : i32
        %dma_wait3A_478 = tpu.memref_slice %arg4[%add3A_468, %dma_wait3A_476, %dma_wait3A_477] : memref<4096x50x128xf32, #tpu.memory_space<hbm>> -> memref<1x50x128xf32, #tpu.memory_space<hbm>>
        %dma_wait3A_479 = tpu.memref_squeeze %dma_wait3A_478 : memref<1x50x128xf32, #tpu.memory_space<hbm>> -> memref<50x128xf32, #tpu.memory_space<hbm>>
        %dma_wait3A_480 = arith.constant 0 : i32
        %dma_wait3A_481 = arith.constant 0 : i32
        %dma_wait3A_482 = tpu.memref_slice %arg14[%dma_wait3A_480, %dma_wait3A_481] : memref<56x128xf32, #tpu.memory_space<vmem>> -> memref<50x128xf32, #tpu.memory_space<vmem>>
        tpu.wait_dma2 semaphore(%arg31 : memref<!tpu.dma_semaphore, #tpu.memory_space<semaphore_mem>>) src(%dma_wait3A_482 : memref<50x128xf32, #tpu.memory_space<vmem>>) dst(%dma_wait3A_479 : memref<50x128xf32, #tpu.memory_space<hbm>>)
      } else {
      }
      %add3A_249 = arith.constant 7 : i32
      %add3A_250 = arith.addi %mul3A_147, %add3A_249 : i32
      %mul3A_251 = arith.constant 56 : i32
      %mul3A_252 = arith.muli %add3A_250, %mul3A_251 : i32
      %multiple_of3A_253 = tpu.assume_multiple %mul3A_252, 56 : i32
      %dma_start3A_254 = tpu.memref_slice %arg6[%multiple_of3A_253] : memref<7184xi32, #tpu.memory_space<vmem>> -> memref<56xi32, #tpu.memory_space<vmem>>
      %dma_start3A_255 = arith.constant 0 : i32
      %dma_start3A_256 = arith.constant 0 : i32
      %dma_start3A_257 = tpu.memref_slice %arg15[%dma_start3A_255, %dma_start3A_256] : memref<56x128xf32, #tpu.memory_space<vmem_shared>> -> memref<56x128xf32, #tpu.memory_space<vmem_shared>>
      tpu.enqueue_indirect_dma source(%dma_start3A_257 : memref<56x128xf32, #tpu.memory_space<vmem_shared>>) target(%arg14 : memref<56x128xf32, #tpu.memory_space<vmem>>) offsets(%dma_start3A_254 : memref<56xi32, #tpu.memory_space<vmem>>) semaphore(%arg23 : memref<!tpu.dma_semaphore, #tpu.memory_space<semaphore_mem>>)
      %add3A_258 = arith.constant 0 : i32
      %add3A_259 = arith.addi %mul3A_147, %add3A_258 : i32
      %mul3A_260 = arith.constant 56 : i32
      %mul3A_261 = arith.muli %add3A_259, %mul3A_260 : i32
      %multiple_of3A_262 = tpu.assume_multiple %mul3A_261, 56 : i32
      %dma_wait3A_263 = tpu.memref_slice %arg6[%multiple_of3A_262] : memref<7184xi32, #tpu.memory_space<vmem>> -> memref<56xi32, #tpu.memory_space<vmem>>
      %dma_wait3A_264 = arith.constant 0 : i32
      %dma_wait3A_265 = arith.constant 0 : i32
      %dma_wait3A_266 = tpu.memref_slice %arg15[%dma_wait3A_264, %dma_wait3A_265] : memref<56x128xf32, #tpu.memory_space<vmem_shared>> -> memref<56x128xf32, #tpu.memory_space<vmem_shared>>
      tpu.wait_indirect_dma semaphore(%arg16 : memref<!tpu.dma_semaphore, #tpu.memory_space<semaphore_mem>>) src(%dma_wait3A_266 : memref<56x128xf32, #tpu.memory_space<vmem_shared>>) dst(%arg7 : memref<56x128xf32, #tpu.memory_space<vmem>>)
      %add3A_267 = arith.constant 0 : i32
      %add3A_268 = arith.addi %mul3A_147, %add3A_267 : i32
      %add3A_269 = arith.addi %mul3A_2, %add3A_268 : i32
      %dma_start3A_270 = arith.constant 0 : i32
      %dma_start3A_271 = arith.constant 0 : i32
      %dma_start3A_272 = tpu.memref_slice %arg7[%dma_start3A_270, %dma_start3A_271] : memref<56x128xf32, #tpu.memory_space<vmem>> -> memref<50x128xf32, #tpu.memory_space<vmem>>
      %dma_start3A_273 = arith.constant 0 : i32
      %dma_start3A_274 = arith.constant 0 : i32
      %dma_start3A_275 = tpu.memref_slice %arg4[%add3A_269, %dma_start3A_273, %dma_start3A_274] : memref<4096x50x128xf32, #tpu.memory_space<hbm>> -> memref<1x50x128xf32, #tpu.memory_space<hbm>>
      %dma_start3A_276 = tpu.memref_squeeze %dma_start3A_275 : memref<1x50x128xf32, #tpu.memory_space<hbm>> -> memref<50x128xf32, #tpu.memory_space<hbm>>
      %dma_start3A_277 = arith.constant 0 : i32
      %dma_start3A_278 = arith.constant 0 : i32
      %dma_start3A_279 = tpu.memref_slice %arg4[%add3A_269, %dma_start3A_277, %dma_start3A_278] : memref<4096x50x128xf32, #tpu.memory_space<hbm>> -> memref<1x50x128xf32, #tpu.memory_space<hbm>>
      %dma_start3A_280 = tpu.memref_squeeze %dma_start3A_279 : memref<1x50x128xf32, #tpu.memory_space<hbm>> -> memref<50x128xf32, #tpu.memory_space<hbm>>
      %dma_start3A_281 = arith.constant 0 : i32
      %dma_start3A_282 = arith.constant 0 : i32
      %dma_start3A_283 = tpu.memref_slice %arg7[%dma_start3A_281, %dma_start3A_282] : memref<56x128xf32, #tpu.memory_space<vmem>> -> memref<50x128xf32, #tpu.memory_space<vmem>>
      tpu.enqueue_dma source(%dma_start3A_283 : memref<50x128xf32, #tpu.memory_space<vmem>>) target(%dma_start3A_280 : memref<50x128xf32, #tpu.memory_space<hbm>>) target_semaphore(%arg24 : memref<!tpu.dma_semaphore, #tpu.memory_space<semaphore_mem>>)
      %add3A_284 = arith.constant 1 : i32
      %add3A_285 = arith.addi %mul3A_147, %add3A_284 : i32
      %mul3A_286 = arith.constant 56 : i32
      %mul3A_287 = arith.muli %add3A_285, %mul3A_286 : i32
      %multiple_of3A_288 = tpu.assume_multiple %mul3A_287, 56 : i32
      %dma_wait3A_289 = tpu.memref_slice %arg6[%multiple_of3A_288] : memref<7184xi32, #tpu.memory_space<vmem>> -> memref<56xi32, #tpu.memory_space<vmem>>
      %dma_wait3A_290 = arith.constant 0 : i32
      %dma_wait3A_291 = arith.constant 0 : i32
      %dma_wait3A_292 = tpu.memref_slice %arg15[%dma_wait3A_290, %dma_wait3A_291] : memref<56x128xf32, #tpu.memory_space<vmem_shared>> -> memref<56x128xf32, #tpu.memory_space<vmem_shared>>
      tpu.wait_indirect_dma semaphore(%arg17 : memref<!tpu.dma_semaphore, #tpu.memory_space<semaphore_mem>>) src(%dma_wait3A_292 : memref<56x128xf32, #tpu.memory_space<vmem_shared>>) dst(%arg8 : memref<56x128xf32, #tpu.memory_space<vmem>>)
      %add3A_293 = arith.constant 1 : i32
      %add3A_294 = arith.addi %mul3A_147, %add3A_293 : i32
      %add3A_295 = arith.addi %mul3A_2, %add3A_294 : i32
      %dma_start3A_296 = arith.constant 0 : i32
      %dma_start3A_297 = arith.constant 0 : i32
      %dma_start3A_298 = tpu.memref_slice %arg8[%dma_start3A_296, %dma_start3A_297] : memref<56x128xf32, #tpu.memory_space<vmem>> -> memref<50x128xf32, #tpu.memory_space<vmem>>
      %dma_start3A_299 = arith.constant 0 : i32
      %dma_start3A_300 = arith.constant 0 : i32
      %dma_start3A_301 = tpu.memref_slice %arg4[%add3A_295, %dma_start3A_299, %dma_start3A_300] : memref<4096x50x128xf32, #tpu.memory_space<hbm>> -> memref<1x50x128xf32, #tpu.memory_space<hbm>>
      %dma_start3A_302 = tpu.memref_squeeze %dma_start3A_301 : memref<1x50x128xf32, #tpu.memory_space<hbm>> -> memref<50x128xf32, #tpu.memory_space<hbm>>
      %dma_start3A_303 = arith.constant 0 : i32
      %dma_start3A_304 = arith.constant 0 : i32
      %dma_start3A_305 = tpu.memref_slice %arg4[%add3A_295, %dma_start3A_303, %dma_start3A_304] : memref<4096x50x128xf32, #tpu.memory_space<hbm>> -> memref<1x50x128xf32, #tpu.memory_space<hbm>>
      %dma_start3A_306 = tpu.memref_squeeze %dma_start3A_305 : memref<1x50x128xf32, #tpu.memory_space<hbm>> -> memref<50x128xf32, #tpu.memory_space<hbm>>
      %dma_start3A_307 = arith.constant 0 : i32
      %dma_start3A_308 = arith.constant 0 : i32
      %dma_start3A_309 = tpu.memref_slice %arg8[%dma_start3A_307, %dma_start3A_308] : memref<56x128xf32, #tpu.memory_space<vmem>> -> memref<50x128xf32, #tpu.memory_space<vmem>>
      tpu.enqueue_dma source(%dma_start3A_309 : memref<50x128xf32, #tpu.memory_space<vmem>>) target(%dma_start3A_306 : memref<50x128xf32, #tpu.memory_space<hbm>>) target_semaphore(%arg25 : memref<!tpu.dma_semaphore, #tpu.memory_space<semaphore_mem>>)
      %add3A_310 = arith.constant 2 : i32
      %add3A_311 = arith.addi %mul3A_147, %add3A_310 : i32
      %mul3A_312 = arith.constant 56 : i32
      %mul3A_313 = arith.muli %add3A_311, %mul3A_312 : i32
      %multiple_of3A_314 = tpu.assume_multiple %mul3A_313, 56 : i32
      %dma_wait3A_315 = tpu.memref_slice %arg6[%multiple_of3A_314] : memref<7184xi32, #tpu.memory_space<vmem>> -> memref<56xi32, #tpu.memory_space<vmem>>
      %dma_wait3A_316 = arith.constant 0 : i32
      %dma_wait3A_317 = arith.constant 0 : i32
      %dma_wait3A_318 = tpu.memref_slice %arg15[%dma_wait3A_316, %dma_wait3A_317] : memref<56x128xf32, #tpu.memory_space<vmem_shared>> -> memref<56x128xf32, #tpu.memory_space<vmem_shared>>
      tpu.wait_indirect_dma semaphore(%arg18 : memref<!tpu.dma_semaphore, #tpu.memory_space<semaphore_mem>>) src(%dma_wait3A_318 : memref<56x128xf32, #tpu.memory_space<vmem_shared>>) dst(%arg9 : memref<56x128xf32, #tpu.memory_space<vmem>>)
      %add3A_319 = arith.constant 2 : i32
      %add3A_320 = arith.addi %mul3A_147, %add3A_319 : i32
      %add3A_321 = arith.addi %mul3A_2, %add3A_320 : i32
      %dma_start3A_322 = arith.constant 0 : i32
      %dma_start3A_323 = arith.constant 0 : i32
      %dma_start3A_324 = tpu.memref_slice %arg9[%dma_start3A_322, %dma_start3A_323] : memref<56x128xf32, #tpu.memory_space<vmem>> -> memref<50x128xf32, #tpu.memory_space<vmem>>
      %dma_start3A_325 = arith.constant 0 : i32
      %dma_start3A_326 = arith.constant 0 : i32
      %dma_start3A_327 = tpu.memref_slice %arg4[%add3A_321, %dma_start3A_325, %dma_start3A_326] : memref<4096x50x128xf32, #tpu.memory_space<hbm>> -> memref<1x50x128xf32, #tpu.memory_space<hbm>>
      %dma_start3A_328 = tpu.memref_squeeze %dma_start3A_327 : memref<1x50x128xf32, #tpu.memory_space<hbm>> -> memref<50x128xf32, #tpu.memory_space<hbm>>
      %dma_start3A_329 = arith.constant 0 : i32
      %dma_start3A_330 = arith.constant 0 : i32
      %dma_start3A_331 = tpu.memref_slice %arg4[%add3A_321, %dma_start3A_329, %dma_start3A_330] : memref<4096x50x128xf32, #tpu.memory_space<hbm>> -> memref<1x50x128xf32, #tpu.memory_space<hbm>>
      %dma_start3A_332 = tpu.memref_squeeze %dma_start3A_331 : memref<1x50x128xf32, #tpu.memory_space<hbm>> -> memref<50x128xf32, #tpu.memory_space<hbm>>
      %dma_start3A_333 = arith.constant 0 : i32
      %dma_start3A_334 = arith.constant 0 : i32
      %dma_start3A_335 = tpu.memref_slice %arg9[%dma_start3A_333, %dma_start3A_334] : memref<56x128xf32, #tpu.memory_space<vmem>> -> memref<50x128xf32, #tpu.memory_space<vmem>>
      tpu.enqueue_dma source(%dma_start3A_335 : memref<50x128xf32, #tpu.memory_space<vmem>>) target(%dma_start3A_332 : memref<50x128xf32, #tpu.memory_space<hbm>>) target_semaphore(%arg26 : memref<!tpu.dma_semaphore, #tpu.memory_space<semaphore_mem>>)
      %add3A_336 = arith.constant 3 : i32
      %add3A_337 = arith.addi %mul3A_147, %add3A_336 : i32
      %mul3A_338 = arith.constant 56 : i32
      %mul3A_339 = arith.muli %add3A_337, %mul3A_338 : i32
      %multiple_of3A_340 = tpu.assume_multiple %mul3A_339, 56 : i32
      %dma_wait3A_341 = tpu.memref_slice %arg6[%multiple_of3A_340] : memref<7184xi32, #tpu.memory_space<vmem>> -> memref<56xi32, #tpu.memory_space<vmem>>
      %dma_wait3A_342 = arith.constant 0 : i32
      %dma_wait3A_343 = arith.constant 0 : i32
      %dma_wait3A_344 = tpu.memref_slice %arg15[%dma_wait3A_342, %dma_wait3A_343] : memref<56x128xf32, #tpu.memory_space<vmem_shared>> -> memref<56x128xf32, #tpu.memory_space<vmem_shared>>
      tpu.wait_indirect_dma semaphore(%arg19 : memref<!tpu.dma_semaphore, #tpu.memory_space<semaphore_mem>>) src(%dma_wait3A_344 : memref<56x128xf32, #tpu.memory_space<vmem_shared>>) dst(%arg10 : memref<56x128xf32, #tpu.memory_space<vmem>>)
      %add3A_345 = arith.constant 3 : i32
      %add3A_346 = arith.addi %mul3A_147, %add3A_345 : i32
      %add3A_347 = arith.addi %mul3A_2, %add3A_346 : i32
      %dma_start3A_348 = arith.constant 0 : i32
      %dma_start3A_349 = arith.constant 0 : i32
      %dma_start3A_350 = tpu.memref_slice %arg10[%dma_start3A_348, %dma_start3A_349] : memref<56x128xf32, #tpu.memory_space<vmem>> -> memref<50x128xf32, #tpu.memory_space<vmem>>
      %dma_start3A_351 = arith.constant 0 : i32
      %dma_start3A_352 = arith.constant 0 : i32
      %dma_start3A_353 = tpu.memref_slice %arg4[%add3A_347, %dma_start3A_351, %dma_start3A_352] : memref<4096x50x128xf32, #tpu.memory_space<hbm>> -> memref<1x50x128xf32, #tpu.memory_space<hbm>>
      %dma_start3A_354 = tpu.memref_squeeze %dma_start3A_353 : memref<1x50x128xf32, #tpu.memory_space<hbm>> -> memref<50x128xf32, #tpu.memory_space<hbm>>
      %dma_start3A_355 = arith.constant 0 : i32
      %dma_start3A_356 = arith.constant 0 : i32
      %dma_start3A_357 = tpu.memref_slice %arg4[%add3A_347, %dma_start3A_355, %dma_start3A_356] : memref<4096x50x128xf32, #tpu.memory_space<hbm>> -> memref<1x50x128xf32, #tpu.memory_space<hbm>>
      %dma_start3A_358 = tpu.memref_squeeze %dma_start3A_357 : memref<1x50x128xf32, #tpu.memory_space<hbm>> -> memref<50x128xf32, #tpu.memory_space<hbm>>
      %dma_start3A_359 = arith.constant 0 : i32
      %dma_start3A_360 = arith.constant 0 : i32
      %dma_start3A_361 = tpu.memref_slice %arg10[%dma_start3A_359, %dma_start3A_360] : memref<56x128xf32, #tpu.memory_space<vmem>> -> memref<50x128xf32, #tpu.memory_space<vmem>>
      tpu.enqueue_dma source(%dma_start3A_361 : memref<50x128xf32, #tpu.memory_space<vmem>>) target(%dma_start3A_358 : memref<50x128xf32, #tpu.memory_space<hbm>>) target_semaphore(%arg27 : memref<!tpu.dma_semaphore, #tpu.memory_space<semaphore_mem>>)
      %add3A_362 = arith.constant 4 : i32
      %add3A_363 = arith.addi %mul3A_147, %add3A_362 : i32
      %mul3A_364 = arith.constant 56 : i32
      %mul3A_365 = arith.muli %add3A_363, %mul3A_364 : i32
      %multiple_of3A_366 = tpu.assume_multiple %mul3A_365, 56 : i32
      %dma_wait3A_367 = tpu.memref_slice %arg6[%multiple_of3A_366] : memref<7184xi32, #tpu.memory_space<vmem>> -> memref<56xi32, #tpu.memory_space<vmem>>
      %dma_wait3A_368 = arith.constant 0 : i32
      %dma_wait3A_369 = arith.constant 0 : i32
      %dma_wait3A_370 = tpu.memref_slice %arg15[%dma_wait3A_368, %dma_wait3A_369] : memref<56x128xf32, #tpu.memory_space<vmem_shared>> -> memref<56x128xf32, #tpu.memory_space<vmem_shared>>
      tpu.wait_indirect_dma semaphore(%arg20 : memref<!tpu.dma_semaphore, #tpu.memory_space<semaphore_mem>>) src(%dma_wait3A_370 : memref<56x128xf32, #tpu.memory_space<vmem_shared>>) dst(%arg11 : memref<56x128xf32, #tpu.memory_space<vmem>>)
      %add3A_371 = arith.constant 4 : i32
      %add3A_372 = arith.addi %mul3A_147, %add3A_371 : i32
      %add3A_373 = arith.addi %mul3A_2, %add3A_372 : i32
      %dma_start3A_374 = arith.constant 0 : i32
      %dma_start3A_375 = arith.constant 0 : i32
      %dma_start3A_376 = tpu.memref_slice %arg11[%dma_start3A_374, %dma_start3A_375] : memref<56x128xf32, #tpu.memory_space<vmem>> -> memref<50x128xf32, #tpu.memory_space<vmem>>
      %dma_start3A_377 = arith.constant 0 : i32
      %dma_start3A_378 = arith.constant 0 : i32
      %dma_start3A_379 = tpu.memref_slice %arg4[%add3A_373, %dma_start3A_377, %dma_start3A_378] : memref<4096x50x128xf32, #tpu.memory_space<hbm>> -> memref<1x50x128xf32, #tpu.memory_space<hbm>>
      %dma_start3A_380 = tpu.memref_squeeze %dma_start3A_379 : memref<1x50x128xf32, #tpu.memory_space<hbm>> -> memref<50x128xf32, #tpu.memory_space<hbm>>
      %dma_start3A_381 = arith.constant 0 : i32
      %dma_start3A_382 = arith.constant 0 : i32
      %dma_start3A_383 = tpu.memref_slice %arg4[%add3A_373, %dma_start3A_381, %dma_start3A_382] : memref<4096x50x128xf32, #tpu.memory_space<hbm>> -> memref<1x50x128xf32, #tpu.memory_space<hbm>>
      %dma_start3A_384 = tpu.memref_squeeze %dma_start3A_383 : memref<1x50x128xf32, #tpu.memory_space<hbm>> -> memref<50x128xf32, #tpu.memory_space<hbm>>
      %dma_start3A_385 = arith.constant 0 : i32
      %dma_start3A_386 = arith.constant 0 : i32
      %dma_start3A_387 = tpu.memref_slice %arg11[%dma_start3A_385, %dma_start3A_386] : memref<56x128xf32, #tpu.memory_space<vmem>> -> memref<50x128xf32, #tpu.memory_space<vmem>>
      tpu.enqueue_dma source(%dma_start3A_387 : memref<50x128xf32, #tpu.memory_space<vmem>>) target(%dma_start3A_384 : memref<50x128xf32, #tpu.memory_space<hbm>>) target_semaphore(%arg28 : memref<!tpu.dma_semaphore, #tpu.memory_space<semaphore_mem>>)
      %add3A_388 = arith.constant 5 : i32
      %add3A_389 = arith.addi %mul3A_147, %add3A_388 : i32
      %mul3A_390 = arith.constant 56 : i32
      %mul3A_391 = arith.muli %add3A_389, %mul3A_390 : i32
      %multiple_of3A_392 = tpu.assume_multiple %mul3A_391, 56 : i32
      %dma_wait3A_393 = tpu.memref_slice %arg6[%multiple_of3A_392] : memref<7184xi32, #tpu.memory_space<vmem>> -> memref<56xi32, #tpu.memory_space<vmem>>
      %dma_wait3A_394 = arith.constant 0 : i32
      %dma_wait3A_395 = arith.constant 0 : i32
      %dma_wait3A_396 = tpu.memref_slice %arg15[%dma_wait3A_394, %dma_wait3A_395] : memref<56x128xf32, #tpu.memory_space<vmem_shared>> -> memref<56x128xf32, #tpu.memory_space<vmem_shared>>
      tpu.wait_indirect_dma semaphore(%arg21 : memref<!tpu.dma_semaphore, #tpu.memory_space<semaphore_mem>>) src(%dma_wait3A_396 : memref<56x128xf32, #tpu.memory_space<vmem_shared>>) dst(%arg12 : memref<56x128xf32, #tpu.memory_space<vmem>>)
      %add3A_397 = arith.constant 5 : i32
      %add3A_398 = arith.addi %mul3A_147, %add3A_397 : i32
      %add3A_399 = arith.addi %mul3A_2, %add3A_398 : i32
      %dma_start3A_400 = arith.constant 0 : i32
      %dma_start3A_401 = arith.constant 0 : i32
      %dma_start3A_402 = tpu.memref_slice %arg12[%dma_start3A_400, %dma_start3A_401] : memref<56x128xf32, #tpu.memory_space<vmem>> -> memref<50x128xf32, #tpu.memory_space<vmem>>
      %dma_start3A_403 = arith.constant 0 : i32
      %dma_start3A_404 = arith.constant 0 : i32
      %dma_start3A_405 = tpu.memref_slice %arg4[%add3A_399, %dma_start3A_403, %dma_start3A_404] : memref<4096x50x128xf32, #tpu.memory_space<hbm>> -> memref<1x50x128xf32, #tpu.memory_space<hbm>>
      %dma_start3A_406 = tpu.memref_squeeze %dma_start3A_405 : memref<1x50x128xf32, #tpu.memory_space<hbm>> -> memref<50x128xf32, #tpu.memory_space<hbm>>
      %dma_start3A_407 = arith.constant 0 : i32
      %dma_start3A_408 = arith.constant 0 : i32
      %dma_start3A_409 = tpu.memref_slice %arg4[%add3A_399, %dma_start3A_407, %dma_start3A_408] : memref<4096x50x128xf32, #tpu.memory_space<hbm>> -> memref<1x50x128xf32, #tpu.memory_space<hbm>>
      %dma_start3A_410 = tpu.memref_squeeze %dma_start3A_409 : memref<1x50x128xf32, #tpu.memory_space<hbm>> -> memref<50x128xf32, #tpu.memory_space<hbm>>
      %dma_start3A_411 = arith.constant 0 : i32
      %dma_start3A_412 = arith.constant 0 : i32
      %dma_start3A_413 = tpu.memref_slice %arg12[%dma_start3A_411, %dma_start3A_412] : memref<56x128xf32, #tpu.memory_space<vmem>> -> memref<50x128xf32, #tpu.memory_space<vmem>>
      tpu.enqueue_dma source(%dma_start3A_413 : memref<50x128xf32, #tpu.memory_space<vmem>>) target(%dma_start3A_410 : memref<50x128xf32, #tpu.memory_space<hbm>>) target_semaphore(%arg29 : memref<!tpu.dma_semaphore, #tpu.memory_space<semaphore_mem>>)
      %add3A_414 = arith.constant 6 : i32
      %add3A_415 = arith.addi %mul3A_147, %add3A_414 : i32
      %mul3A_416 = arith.constant 56 : i32
      %mul3A_417 = arith.muli %add3A_415, %mul3A_416 : i32
      %multiple_of3A_418 = tpu.assume_multiple %mul3A_417, 56 : i32
      %dma_wait3A_419 = tpu.memref_slice %arg6[%multiple_of3A_418] : memref<7184xi32, #tpu.memory_space<vmem>> -> memref<56xi32, #tpu.memory_space<vmem>>
      %dma_wait3A_420 = arith.constant 0 : i32
      %dma_wait3A_421 = arith.constant 0 : i32
      %dma_wait3A_422 = tpu.memref_slice %arg15[%dma_wait3A_420, %dma_wait3A_421] : memref<56x128xf32, #tpu.memory_space<vmem_shared>> -> memref<56x128xf32, #tpu.memory_space<vmem_shared>>
      tpu.wait_indirect_dma semaphore(%arg22 : memref<!tpu.dma_semaphore, #tpu.memory_space<semaphore_mem>>) src(%dma_wait3A_422 : memref<56x128xf32, #tpu.memory_space<vmem_shared>>) dst(%arg13 : memref<56x128xf32, #tpu.memory_space<vmem>>)
      %add3A_423 = arith.constant 6 : i32
      %add3A_424 = arith.addi %mul3A_147, %add3A_423 : i32
      %add3A_425 = arith.addi %mul3A_2, %add3A_424 : i32
      %dma_start3A_426 = arith.constant 0 : i32
      %dma_start3A_427 = arith.constant 0 : i32
      %dma_start3A_428 = tpu.memref_slice %arg13[%dma_start3A_426, %dma_start3A_427] : memref<56x128xf32, #tpu.memory_space<vmem>> -> memref<50x128xf32, #tpu.memory_space<vmem>>
      %dma_start3A_429 = arith.constant 0 : i32
      %dma_start3A_430 = arith.constant 0 : i32
      %dma_start3A_431 = tpu.memref_slice %arg4[%add3A_425, %dma_start3A_429, %dma_start3A_430] : memref<4096x50x128xf32, #tpu.memory_space<hbm>> -> memref<1x50x128xf32, #tpu.memory_space<hbm>>
      %dma_start3A_432 = tpu.memref_squeeze %dma_start3A_431 : memref<1x50x128xf32, #tpu.memory_space<hbm>> -> memref<50x128xf32, #tpu.memory_space<hbm>>
      %dma_start3A_433 = arith.constant 0 : i32
      %dma_start3A_434 = arith.constant 0 : i32
      %dma_start3A_435 = tpu.memref_slice %arg4[%add3A_425, %dma_start3A_433, %dma_start3A_434] : memref<4096x50x128xf32, #tpu.memory_space<hbm>> -> memref<1x50x128xf32, #tpu.memory_space<hbm>>
      %dma_start3A_436 = tpu.memref_squeeze %dma_start3A_435 : memref<1x50x128xf32, #tpu.memory_space<hbm>> -> memref<50x128xf32, #tpu.memory_space<hbm>>
      %dma_start3A_437 = arith.constant 0 : i32
      %dma_start3A_438 = arith.constant 0 : i32
      %dma_start3A_439 = tpu.memref_slice %arg13[%dma_start3A_437, %dma_start3A_438] : memref<56x128xf32, #tpu.memory_space<vmem>> -> memref<50x128xf32, #tpu.memory_space<vmem>>
      tpu.enqueue_dma source(%dma_start3A_439 : memref<50x128xf32, #tpu.memory_space<vmem>>) target(%dma_start3A_436 : memref<50x128xf32, #tpu.memory_space<hbm>>) target_semaphore(%arg30 : memref<!tpu.dma_semaphore, #tpu.memory_space<semaphore_mem>>)
      %add3A_440 = arith.constant 7 : i32
      %add3A_441 = arith.addi %mul3A_147, %add3A_440 : i32
      %mul3A_442 = arith.constant 56 : i32
      %mul3A_443 = arith.muli %add3A_441, %mul3A_442 : i32
      %multiple_of3A_444 = tpu.assume_multiple %mul3A_443, 56 : i32
      %dma_wait3A_445 = tpu.memref_slice %arg6[%multiple_of3A_444] : memref<7184xi32, #tpu.memory_space<vmem>> -> memref<56xi32, #tpu.memory_space<vmem>>
      %dma_wait3A_446 = arith.constant 0 : i32
      %dma_wait3A_447 = arith.constant 0 : i32
      %dma_wait3A_448 = tpu.memref_slice %arg15[%dma_wait3A_446, %dma_wait3A_447] : memref<56x128xf32, #tpu.memory_space<vmem_shared>> -> memref<56x128xf32, #tpu.memory_space<vmem_shared>>
      tpu.wait_indirect_dma semaphore(%arg23 : memref<!tpu.dma_semaphore, #tpu.memory_space<semaphore_mem>>) src(%dma_wait3A_448 : memref<56x128xf32, #tpu.memory_space<vmem_shared>>) dst(%arg14 : memref<56x128xf32, #tpu.memory_space<vmem>>)
      %add3A_449 = arith.constant 7 : i32
      %add3A_450 = arith.addi %mul3A_147, %add3A_449 : i32
      %add3A_451 = arith.addi %mul3A_2, %add3A_450 : i32
      %dma_start3A_452 = arith.constant 0 : i32
      %dma_start3A_453 = arith.constant 0 : i32
      %dma_start3A_454 = tpu.memref_slice %arg14[%dma_start3A_452, %dma_start3A_453] : memref<56x128xf32, #tpu.memory_space<vmem>> -> memref<50x128xf32, #tpu.memory_space<vmem>>
      %dma_start3A_455 = arith.constant 0 : i32
      %dma_start3A_456 = arith.constant 0 : i32
      %dma_start3A_457 = tpu.memref_slice %arg4[%add3A_451, %dma_start3A_455, %dma_start3A_456] : memref<4096x50x128xf32, #tpu.memory_space<hbm>> -> memref<1x50x128xf32, #tpu.memory_space<hbm>>
      %dma_start3A_458 = tpu.memref_squeeze %dma_start3A_457 : memref<1x50x128xf32, #tpu.memory_space<hbm>> -> memref<50x128xf32, #tpu.memory_space<hbm>>
      %dma_start3A_459 = arith.constant 0 : i32
      %dma_start3A_460 = arith.constant 0 : i32
      %dma_start3A_461 = tpu.memref_slice %arg4[%add3A_451, %dma_start3A_459, %dma_start3A_460] : memref<4096x50x128xf32, #tpu.memory_space<hbm>> -> memref<1x50x128xf32, #tpu.memory_space<hbm>>
      %dma_start3A_462 = tpu.memref_squeeze %dma_start3A_461 : memref<1x50x128xf32, #tpu.memory_space<hbm>> -> memref<50x128xf32, #tpu.memory_space<hbm>>
      %dma_start3A_463 = arith.constant 0 : i32
      %dma_start3A_464 = arith.constant 0 : i32
      %dma_start3A_465 = tpu.memref_slice %arg14[%dma_start3A_463, %dma_start3A_464] : memref<56x128xf32, #tpu.memory_space<vmem>> -> memref<50x128xf32, #tpu.memory_space<vmem>>
      tpu.enqueue_dma source(%dma_start3A_465 : memref<50x128xf32, #tpu.memory_space<vmem>>) target(%dma_start3A_462 : memref<50x128xf32, #tpu.memory_space<hbm>>) target_semaphore(%arg31 : memref<!tpu.dma_semaphore, #tpu.memory_space<semaphore_mem>>)
    }
    %scan3A_17 = arith.constant 16 : i32
    %add3A_18 = arith.constant 120 : i32
    %add3A_19 = arith.addi %mul3A_2, %add3A_18 : i32
    %dma_wait3A = arith.constant 0 : i32
    %dma_wait3A_20 = arith.constant 0 : i32
    %dma_wait3A_21 = tpu.memref_slice %arg7[%dma_wait3A, %dma_wait3A_20] : memref<56x128xf32, #tpu.memory_space<vmem>> -> memref<50x128xf32, #tpu.memory_space<vmem>>
    %dma_wait3A_22 = arith.constant 0 : i32
    %dma_wait3A_23 = arith.constant 0 : i32
    %dma_wait3A_24 = tpu.memref_slice %arg4[%add3A_19, %dma_wait3A_22, %dma_wait3A_23] : memref<4096x50x128xf32, #tpu.memory_space<hbm>> -> memref<1x50x128xf32, #tpu.memory_space<hbm>>
    %dma_wait3A_25 = tpu.memref_squeeze %dma_wait3A_24 : memref<1x50x128xf32, #tpu.memory_space<hbm>> -> memref<50x128xf32, #tpu.memory_space<hbm>>
    %dma_wait3A_26 = arith.constant 0 : i32
    %dma_wait3A_27 = arith.constant 0 : i32
    %dma_wait3A_28 = tpu.memref_slice %arg4[%add3A_19, %dma_wait3A_26, %dma_wait3A_27] : memref<4096x50x128xf32, #tpu.memory_space<hbm>> -> memref<1x50x128xf32, #tpu.memory_space<hbm>>
    %dma_wait3A_29 = tpu.memref_squeeze %dma_wait3A_28 : memref<1x50x128xf32, #tpu.memory_space<hbm>> -> memref<50x128xf32, #tpu.memory_space<hbm>>
    %dma_wait3A_30 = arith.constant 0 : i32
    %dma_wait3A_31 = arith.constant 0 : i32
    %dma_wait3A_32 = tpu.memref_slice %arg7[%dma_wait3A_30, %dma_wait3A_31] : memref<56x128xf32, #tpu.memory_space<vmem>> -> memref<50x128xf32, #tpu.memory_space<vmem>>
    tpu.wait_dma2 semaphore(%arg24 : memref<!tpu.dma_semaphore, #tpu.memory_space<semaphore_mem>>) src(%dma_wait3A_32 : memref<50x128xf32, #tpu.memory_space<vmem>>) dst(%dma_wait3A_29 : memref<50x128xf32, #tpu.memory_space<hbm>>)
    %add3A_33 = arith.constant 121 : i32
    %add3A_34 = arith.addi %mul3A_2, %add3A_33 : i32
    %dma_wait3A_35 = arith.constant 0 : i32
    %dma_wait3A_36 = arith.constant 0 : i32
    %dma_wait3A_37 = tpu.memref_slice %arg8[%dma_wait3A_35, %dma_wait3A_36] : memref<56x128xf32, #tpu.memory_space<vmem>> -> memref<50x128xf32, #tpu.memory_space<vmem>>
    %dma_wait3A_38 = arith.constant 0 : i32
    %dma_wait3A_39 = arith.constant 0 : i32
    %dma_wait3A_40 = tpu.memref_slice %arg4[%add3A_34, %dma_wait3A_38, %dma_wait3A_39] : memref<4096x50x128xf32, #tpu.memory_space<hbm>> -> memref<1x50x128xf32, #tpu.memory_space<hbm>>
    %dma_wait3A_41 = tpu.memref_squeeze %dma_wait3A_40 : memref<1x50x128xf32, #tpu.memory_space<hbm>> -> memref<50x128xf32, #tpu.memory_space<hbm>>
    %dma_wait3A_42 = arith.constant 0 : i32
    %dma_wait3A_43 = arith.constant 0 : i32
    %dma_wait3A_44 = tpu.memref_slice %arg4[%add3A_34, %dma_wait3A_42, %dma_wait3A_43] : memref<4096x50x128xf32, #tpu.memory_space<hbm>> -> memref<1x50x128xf32, #tpu.memory_space<hbm>>
    %dma_wait3A_45 = tpu.memref_squeeze %dma_wait3A_44 : memref<1x50x128xf32, #tpu.memory_space<hbm>> -> memref<50x128xf32, #tpu.memory_space<hbm>>
    %dma_wait3A_46 = arith.constant 0 : i32
    %dma_wait3A_47 = arith.constant 0 : i32
    %dma_wait3A_48 = tpu.memref_slice %arg8[%dma_wait3A_46, %dma_wait3A_47] : memref<56x128xf32, #tpu.memory_space<vmem>> -> memref<50x128xf32, #tpu.memory_space<vmem>>
    tpu.wait_dma2 semaphore(%arg25 : memref<!tpu.dma_semaphore, #tpu.memory_space<semaphore_mem>>) src(%dma_wait3A_48 : memref<50x128xf32, #tpu.memory_space<vmem>>) dst(%dma_wait3A_45 : memref<50x128xf32, #tpu.memory_space<hbm>>)
    %add3A_49 = arith.constant 122 : i32
    %add3A_50 = arith.addi %mul3A_2, %add3A_49 : i32
    %dma_wait3A_51 = arith.constant 0 : i32
    %dma_wait3A_52 = arith.constant 0 : i32
    %dma_wait3A_53 = tpu.memref_slice %arg9[%dma_wait3A_51, %dma_wait3A_52] : memref<56x128xf32, #tpu.memory_space<vmem>> -> memref<50x128xf32, #tpu.memory_space<vmem>>
    %dma_wait3A_54 = arith.constant 0 : i32
    %dma_wait3A_55 = arith.constant 0 : i32
    %dma_wait3A_56 = tpu.memref_slice %arg4[%add3A_50, %dma_wait3A_54, %dma_wait3A_55] : memref<4096x50x128xf32, #tpu.memory_space<hbm>> -> memref<1x50x128xf32, #tpu.memory_space<hbm>>
    %dma_wait3A_57 = tpu.memref_squeeze %dma_wait3A_56 : memref<1x50x128xf32, #tpu.memory_space<hbm>> -> memref<50x128xf32, #tpu.memory_space<hbm>>
    %dma_wait3A_58 = arith.constant 0 : i32
    %dma_wait3A_59 = arith.constant 0 : i32
    %dma_wait3A_60 = tpu.memref_slice %arg4[%add3A_50, %dma_wait3A_58, %dma_wait3A_59] : memref<4096x50x128xf32, #tpu.memory_space<hbm>> -> memref<1x50x128xf32, #tpu.memory_space<hbm>>
    %dma_wait3A_61 = tpu.memref_squeeze %dma_wait3A_60 : memref<1x50x128xf32, #tpu.memory_space<hbm>> -> memref<50x128xf32, #tpu.memory_space<hbm>>
    %dma_wait3A_62 = arith.constant 0 : i32
    %dma_wait3A_63 = arith.constant 0 : i32
    %dma_wait3A_64 = tpu.memref_slice %arg9[%dma_wait3A_62, %dma_wait3A_63] : memref<56x128xf32, #tpu.memory_space<vmem>> -> memref<50x128xf32, #tpu.memory_space<vmem>>
    tpu.wait_dma2 semaphore(%arg26 : memref<!tpu.dma_semaphore, #tpu.memory_space<semaphore_mem>>) src(%dma_wait3A_64 : memref<50x128xf32, #tpu.memory_space<vmem>>) dst(%dma_wait3A_61 : memref<50x128xf32, #tpu.memory_space<hbm>>)
    %add3A_65 = arith.constant 123 : i32
    %add3A_66 = arith.addi %mul3A_2, %add3A_65 : i32
    %dma_wait3A_67 = arith.constant 0 : i32
    %dma_wait3A_68 = arith.constant 0 : i32
    %dma_wait3A_69 = tpu.memref_slice %arg10[%dma_wait3A_67, %dma_wait3A_68] : memref<56x128xf32, #tpu.memory_space<vmem>> -> memref<50x128xf32, #tpu.memory_space<vmem>>
    %dma_wait3A_70 = arith.constant 0 : i32
    %dma_wait3A_71 = arith.constant 0 : i32
    %dma_wait3A_72 = tpu.memref_slice %arg4[%add3A_66, %dma_wait3A_70, %dma_wait3A_71] : memref<4096x50x128xf32, #tpu.memory_space<hbm>> -> memref<1x50x128xf32, #tpu.memory_space<hbm>>
    %dma_wait3A_73 = tpu.memref_squeeze %dma_wait3A_72 : memref<1x50x128xf32, #tpu.memory_space<hbm>> -> memref<50x128xf32, #tpu.memory_space<hbm>>
    %dma_wait3A_74 = arith.constant 0 : i32
    %dma_wait3A_75 = arith.constant 0 : i32
    %dma_wait3A_76 = tpu.memref_slice %arg4[%add3A_66, %dma_wait3A_74, %dma_wait3A_75] : memref<4096x50x128xf32, #tpu.memory_space<hbm>> -> memref<1x50x128xf32, #tpu.memory_space<hbm>>
    %dma_wait3A_77 = tpu.memref_squeeze %dma_wait3A_76 : memref<1x50x128xf32, #tpu.memory_space<hbm>> -> memref<50x128xf32, #tpu.memory_space<hbm>>
    %dma_wait3A_78 = arith.constant 0 : i32
    %dma_wait3A_79 = arith.constant 0 : i32
    %dma_wait3A_80 = tpu.memref_slice %arg10[%dma_wait3A_78, %dma_wait3A_79] : memref<56x128xf32, #tpu.memory_space<vmem>> -> memref<50x128xf32, #tpu.memory_space<vmem>>
    tpu.wait_dma2 semaphore(%arg27 : memref<!tpu.dma_semaphore, #tpu.memory_space<semaphore_mem>>) src(%dma_wait3A_80 : memref<50x128xf32, #tpu.memory_space<vmem>>) dst(%dma_wait3A_77 : memref<50x128xf32, #tpu.memory_space<hbm>>)
    %add3A_81 = arith.constant 124 : i32
    %add3A_82 = arith.addi %mul3A_2, %add3A_81 : i32
    %dma_wait3A_83 = arith.constant 0 : i32
    %dma_wait3A_84 = arith.constant 0 : i32
    %dma_wait3A_85 = tpu.memref_slice %arg11[%dma_wait3A_83, %dma_wait3A_84] : memref<56x128xf32, #tpu.memory_space<vmem>> -> memref<50x128xf32, #tpu.memory_space<vmem>>
    %dma_wait3A_86 = arith.constant 0 : i32
    %dma_wait3A_87 = arith.constant 0 : i32
    %dma_wait3A_88 = tpu.memref_slice %arg4[%add3A_82, %dma_wait3A_86, %dma_wait3A_87] : memref<4096x50x128xf32, #tpu.memory_space<hbm>> -> memref<1x50x128xf32, #tpu.memory_space<hbm>>
    %dma_wait3A_89 = tpu.memref_squeeze %dma_wait3A_88 : memref<1x50x128xf32, #tpu.memory_space<hbm>> -> memref<50x128xf32, #tpu.memory_space<hbm>>
    %dma_wait3A_90 = arith.constant 0 : i32
    %dma_wait3A_91 = arith.constant 0 : i32
    %dma_wait3A_92 = tpu.memref_slice %arg4[%add3A_82, %dma_wait3A_90, %dma_wait3A_91] : memref<4096x50x128xf32, #tpu.memory_space<hbm>> -> memref<1x50x128xf32, #tpu.memory_space<hbm>>
    %dma_wait3A_93 = tpu.memref_squeeze %dma_wait3A_92 : memref<1x50x128xf32, #tpu.memory_space<hbm>> -> memref<50x128xf32, #tpu.memory_space<hbm>>
    %dma_wait3A_94 = arith.constant 0 : i32
    %dma_wait3A_95 = arith.constant 0 : i32
    %dma_wait3A_96 = tpu.memref_slice %arg11[%dma_wait3A_94, %dma_wait3A_95] : memref<56x128xf32, #tpu.memory_space<vmem>> -> memref<50x128xf32, #tpu.memory_space<vmem>>
    tpu.wait_dma2 semaphore(%arg28 : memref<!tpu.dma_semaphore, #tpu.memory_space<semaphore_mem>>) src(%dma_wait3A_96 : memref<50x128xf32, #tpu.memory_space<vmem>>) dst(%dma_wait3A_93 : memref<50x128xf32, #tpu.memory_space<hbm>>)
    %add3A_97 = arith.constant 125 : i32
    %add3A_98 = arith.addi %mul3A_2, %add3A_97 : i32
    %dma_wait3A_99 = arith.constant 0 : i32
    %dma_wait3A_100 = arith.constant 0 : i32
    %dma_wait3A_101 = tpu.memref_slice %arg12[%dma_wait3A_99, %dma_wait3A_100] : memref<56x128xf32, #tpu.memory_space<vmem>> -> memref<50x128xf32, #tpu.memory_space<vmem>>
    %dma_wait3A_102 = arith.constant 0 : i32
    %dma_wait3A_103 = arith.constant 0 : i32
    %dma_wait3A_104 = tpu.memref_slice %arg4[%add3A_98, %dma_wait3A_102, %dma_wait3A_103] : memref<4096x50x128xf32, #tpu.memory_space<hbm>> -> memref<1x50x128xf32, #tpu.memory_space<hbm>>
    %dma_wait3A_105 = tpu.memref_squeeze %dma_wait3A_104 : memref<1x50x128xf32, #tpu.memory_space<hbm>> -> memref<50x128xf32, #tpu.memory_space<hbm>>
    %dma_wait3A_106 = arith.constant 0 : i32
    %dma_wait3A_107 = arith.constant 0 : i32
    %dma_wait3A_108 = tpu.memref_slice %arg4[%add3A_98, %dma_wait3A_106, %dma_wait3A_107] : memref<4096x50x128xf32, #tpu.memory_space<hbm>> -> memref<1x50x128xf32, #tpu.memory_space<hbm>>
    %dma_wait3A_109 = tpu.memref_squeeze %dma_wait3A_108 : memref<1x50x128xf32, #tpu.memory_space<hbm>> -> memref<50x128xf32, #tpu.memory_space<hbm>>
    %dma_wait3A_110 = arith.constant 0 : i32
    %dma_wait3A_111 = arith.constant 0 : i32
    %dma_wait3A_112 = tpu.memref_slice %arg12[%dma_wait3A_110, %dma_wait3A_111] : memref<56x128xf32, #tpu.memory_space<vmem>> -> memref<50x128xf32, #tpu.memory_space<vmem>>
    tpu.wait_dma2 semaphore(%arg29 : memref<!tpu.dma_semaphore, #tpu.memory_space<semaphore_mem>>) src(%dma_wait3A_112 : memref<50x128xf32, #tpu.memory_space<vmem>>) dst(%dma_wait3A_109 : memref<50x128xf32, #tpu.memory_space<hbm>>)
    %add3A_113 = arith.constant 126 : i32
    %add3A_114 = arith.addi %mul3A_2, %add3A_113 : i32
    %dma_wait3A_115 = arith.constant 0 : i32
    %dma_wait3A_116 = arith.constant 0 : i32
    %dma_wait3A_117 = tpu.memref_slice %arg13[%dma_wait3A_115, %dma_wait3A_116] : memref<56x128xf32, #tpu.memory_space<vmem>> -> memref<50x128xf32, #tpu.memory_space<vmem>>
    %dma_wait3A_118 = arith.constant 0 : i32
    %dma_wait3A_119 = arith.constant 0 : i32
    %dma_wait3A_120 = tpu.memref_slice %arg4[%add3A_114, %dma_wait3A_118, %dma_wait3A_119] : memref<4096x50x128xf32, #tpu.memory_space<hbm>> -> memref<1x50x128xf32, #tpu.memory_space<hbm>>
    %dma_wait3A_121 = tpu.memref_squeeze %dma_wait3A_120 : memref<1x50x128xf32, #tpu.memory_space<hbm>> -> memref<50x128xf32, #tpu.memory_space<hbm>>
    %dma_wait3A_122 = arith.constant 0 : i32
    %dma_wait3A_123 = arith.constant 0 : i32
    %dma_wait3A_124 = tpu.memref_slice %arg4[%add3A_114, %dma_wait3A_122, %dma_wait3A_123] : memref<4096x50x128xf32, #tpu.memory_space<hbm>> -> memref<1x50x128xf32, #tpu.memory_space<hbm>>
    %dma_wait3A_125 = tpu.memref_squeeze %dma_wait3A_124 : memref<1x50x128xf32, #tpu.memory_space<hbm>> -> memref<50x128xf32, #tpu.memory_space<hbm>>
    %dma_wait3A_126 = arith.constant 0 : i32
    %dma_wait3A_127 = arith.constant 0 : i32
    %dma_wait3A_128 = tpu.memref_slice %arg13[%dma_wait3A_126, %dma_wait3A_127] : memref<56x128xf32, #tpu.memory_space<vmem>> -> memref<50x128xf32, #tpu.memory_space<vmem>>
    tpu.wait_dma2 semaphore(%arg30 : memref<!tpu.dma_semaphore, #tpu.memory_space<semaphore_mem>>) src(%dma_wait3A_128 : memref<50x128xf32, #tpu.memory_space<vmem>>) dst(%dma_wait3A_125 : memref<50x128xf32, #tpu.memory_space<hbm>>)
    %add3A_129 = arith.constant 127 : i32
    %add3A_130 = arith.addi %mul3A_2, %add3A_129 : i32
    %dma_wait3A_131 = arith.constant 0 : i32
    %dma_wait3A_132 = arith.constant 0 : i32
    %dma_wait3A_133 = tpu.memref_slice %arg14[%dma_wait3A_131, %dma_wait3A_132] : memref<56x128xf32, #tpu.memory_space<vmem>> -> memref<50x128xf32, #tpu.memory_space<vmem>>
    %dma_wait3A_134 = arith.constant 0 : i32
    %dma_wait3A_135 = arith.constant 0 : i32
    %dma_wait3A_136 = tpu.memref_slice %arg4[%add3A_130, %dma_wait3A_134, %dma_wait3A_135] : memref<4096x50x128xf32, #tpu.memory_space<hbm>> -> memref<1x50x128xf32, #tpu.memory_space<hbm>>
    %dma_wait3A_137 = tpu.memref_squeeze %dma_wait3A_136 : memref<1x50x128xf32, #tpu.memory_space<hbm>> -> memref<50x128xf32, #tpu.memory_space<hbm>>
    %dma_wait3A_138 = arith.constant 0 : i32
    %dma_wait3A_139 = arith.constant 0 : i32
    %dma_wait3A_140 = tpu.memref_slice %arg4[%add3A_130, %dma_wait3A_138, %dma_wait3A_139] : memref<4096x50x128xf32, #tpu.memory_space<hbm>> -> memref<1x50x128xf32, #tpu.memory_space<hbm>>
    %dma_wait3A_141 = tpu.memref_squeeze %dma_wait3A_140 : memref<1x50x128xf32, #tpu.memory_space<hbm>> -> memref<50x128xf32, #tpu.memory_space<hbm>>
    %dma_wait3A_142 = arith.constant 0 : i32
    %dma_wait3A_143 = arith.constant 0 : i32
    %dma_wait3A_144 = tpu.memref_slice %arg14[%dma_wait3A_142, %dma_wait3A_143] : memref<56x128xf32, #tpu.memory_space<vmem>> -> memref<50x128xf32, #tpu.memory_space<vmem>>
    tpu.wait_dma2 semaphore(%arg31 : memref<!tpu.dma_semaphore, #tpu.memory_space<semaphore_mem>>) src(%dma_wait3A_144 : memref<50x128xf32, #tpu.memory_space<vmem>>) dst(%dma_wait3A_141 : memref<50x128xf32, #tpu.memory_space<hbm>>)
    return
  }
}

module attributes {stable_mosaic.version = 14 : i64} {
  func.func @_combo_body(%arg0: memref<13x128xf32, #tpu.memory_space<vmem>>, %arg1: memref<4x128xf32, #tpu.memory_space<vmem>>, %arg2: memref<56x128xf32, #tpu.memory_space<vmem>>) attributes {dimension_semantics = [], scalar_prefetch = 0 : i64, scratch_operands = 0 : i64, tpu.core_type = #tpu.core_type<tc>} {
    %iota3A = tpu.iota {dimensions = array<i32: 0>} : vector<56x13xi32>
    %jit3A = arith.constant 4 : i32
    %div3A = vector.broadcast %jit3A : i32 to vector<56x13xi32>
    %div3A_0 = arith.divsi %iota3A, %div3A : vector<56x13xi32>
    %sign3A = arith.constant 0 : i32
    %sign3A_1 = vector.broadcast %sign3A : i32 to vector<56x13xi32>
    %sign3A_2 = arith.cmpi sgt, %iota3A, %sign3A_1 : vector<56x13xi32>
    %sign3A_3 = arith.extui %sign3A_2 : vector<56x13xi1> to vector<56x13xi32>
    %sign3A_4 = arith.constant 0 : i32
    %sign3A_5 = vector.broadcast %sign3A_4 : i32 to vector<56x13xi32>
    %sign3A_6 = arith.cmpi slt, %iota3A, %sign3A_5 : vector<56x13xi32>
    %sign3A_7 = arith.extui %sign3A_6 : vector<56x13xi1> to vector<56x13xi32>
    %sign3A_8 = arith.subi %sign3A_3, %sign3A_7 : vector<56x13xi32>
    %sign3A_9 = arith.constant 0 : i32
    %sign3A_10 = arith.cmpi sgt, %jit3A, %sign3A_9 : i32
    %sign3A_11 = arith.extui %sign3A_10 : i1 to i32
    %sign3A_12 = arith.constant 0 : i32
    %sign3A_13 = arith.cmpi slt, %jit3A, %sign3A_12 : i32
    %sign3A_14 = arith.extui %sign3A_13 : i1 to i32
    %sign3A_15 = arith.subi %sign3A_11, %sign3A_14 : i32
    %ne3A = vector.broadcast %sign3A_15 : i32 to vector<56x13xi32>
    %ne3A_16 = arith.cmpi ne, %sign3A_8, %ne3A : vector<56x13xi32>
    %rem3A = vector.broadcast %jit3A : i32 to vector<56x13xi32>
    %rem3A_17 = arith.remsi %iota3A, %rem3A : vector<56x13xi32>
    %ne3A_18 = arith.constant 0 : i32
    %ne3A_19 = vector.broadcast %ne3A_18 : i32 to vector<56x13xi32>
    %ne3A_20 = arith.cmpi ne, %rem3A_17, %ne3A_19 : vector<56x13xi32>
    %and3A = arith.andi %ne3A_16, %ne3A_20 : vector<56x13xi1>
    %sub3A = arith.constant 1 : i32
    %sub3A_21 = vector.broadcast %sub3A : i32 to vector<56x13xi32>
    %sub3A_22 = arith.subi %div3A_0, %sub3A_21 : vector<56x13xi32>
    %select_n3A = arith.select %and3A, %sub3A_22, %div3A_0 : vector<56x13xi1>, vector<56x13xi32>
    %iota3A_23 = tpu.iota {dimensions = array<i32: 1>} : vector<56x13xi32>
    %eq3A = arith.cmpi eq, %select_n3A, %iota3A_23 : vector<56x13xi32>
    %convert_element_type3A = arith.extui %eq3A : vector<56x13xi1> to vector<56x13xi32>
    %convert_element_type3A_24 = arith.sitofp %convert_element_type3A : vector<56x13xi32> to vector<56x13xf32>
    %iota3A_25 = tpu.iota {dimensions = array<i32: 0>} : vector<56x4xi32>
    %jit3A_26 = arith.constant 4 : i32
    %eq3A_27 = arith.constant 0 : i32
    %eq3A_28 = arith.cmpi eq, %jit3A_26, %eq3A_27 : i32
    %jit3A_29 = arith.constant 1 : i32
    %select_n3A_30 = arith.select %eq3A_28, %jit3A_29, %jit3A_26 : i32
    %rem3A_31 = vector.broadcast %select_n3A_30 : i32 to vector<56x4xi32>
    %rem3A_32 = arith.remsi %iota3A_25, %rem3A_31 : vector<56x4xi32>
    %ne3A_33 = arith.constant 0 : i32
    %ne3A_34 = vector.broadcast %ne3A_33 : i32 to vector<56x4xi32>
    %ne3A_35 = arith.cmpi ne, %rem3A_32, %ne3A_34 : vector<56x4xi32>
    %lt3A = arith.constant 0 : i32
    %lt3A_36 = vector.broadcast %lt3A : i32 to vector<56x4xi32>
    %lt3A_37 = arith.cmpi slt, %rem3A_32, %lt3A_36 : vector<56x4xi32>
    %lt3A_38 = arith.constant 0 : i32
    %lt3A_39 = arith.cmpi slt, %select_n3A_30, %lt3A_38 : i32
    %ne3A_40 = vector.broadcast %lt3A_39 : i1 to vector<56x4xi1>
    %ne3A_41 = vector.broadcast %ne3A_40 : vector<56x4xi1> to vector<56x4xi1>
    %ne3A_42 = arith.xori %lt3A_37, %ne3A_41 : vector<56x4xi1>
    %and3A_43 = arith.andi %ne3A_42, %ne3A_35 : vector<56x4xi1>
    %add3A = vector.broadcast %select_n3A_30 : i32 to vector<56x4xi32>
    %add3A_44 = arith.addi %rem3A_32, %add3A : vector<56x4xi32>
    %select_n3A_45 = arith.select %and3A_43, %add3A_44, %rem3A_32 : vector<56x4xi1>, vector<56x4xi32>
    %iota3A_46 = tpu.iota {dimensions = array<i32: 1>} : vector<56x4xi32>
    %eq3A_47 = arith.cmpi eq, %select_n3A_45, %iota3A_46 : vector<56x4xi32>
    %convert_element_type3A_48 = arith.extui %eq3A_47 : vector<56x4xi1> to vector<56x4xi32>
    %convert_element_type3A_49 = arith.sitofp %convert_element_type3A_48 : vector<56x4xi32> to vector<56x4xf32>
    %get3A = arith.constant 0 : index
    %get3A_50 = arith.constant 0 : index
    %get3A_51 = vector.load %arg0[%get3A, %get3A_50] : memref<13x128xf32, #tpu.memory_space<vmem>>, vector<13x128xf32>
    %dot_general3A = arith.constant dense<0.000000e+00> : vector<56x128xf32>
    %dot_general3A_52 = tpu.matmul %convert_element_type3A_24, %get3A_51, %dot_general3A {dimension_numbers = #tpu.dot_dimension_numbers<[1], [0], [0], [1], [0, 0, 1, 1], [], []>, transpose_lhs_hint = false} : vector<56x13xf32>, vector<13x128xf32>, vector<56x128xf32> -> vector<56x128xf32>
    %get3A_53 = arith.constant 0 : index
    %get3A_54 = arith.constant 0 : index
    %get3A_55 = vector.load %arg1[%get3A_53, %get3A_54] : memref<4x128xf32, #tpu.memory_space<vmem>>, vector<4x128xf32>
    %dot_general3A_56 = arith.constant dense<0.000000e+00> : vector<56x128xf32>
    %dot_general3A_57 = tpu.matmul %convert_element_type3A_49, %get3A_55, %dot_general3A_56 {dimension_numbers = #tpu.dot_dimension_numbers<[1], [0], [0], [1], [0, 0, 1, 1], [], []>, transpose_lhs_hint = false} : vector<56x4xf32>, vector<4x128xf32>, vector<56x128xf32> -> vector<56x128xf32>
    %add3A_58 = arith.addf %dot_general3A_52, %dot_general3A_57 : vector<56x128xf32>
    %swap3A = arith.constant 0 : index
    %swap3A_59 = arith.constant 0 : index
    %swap3A_60 = vector.load %arg2[%swap3A, %swap3A_59] : memref<56x128xf32, #tpu.memory_space<vmem>>, vector<56x128xf32>
    tpu.vector_store %arg2[%swap3A, %swap3A_59], %add3A_58 {strides = array<i32>} : memref<56x128xf32, #tpu.memory_space<vmem>>, vector<56x128xf32>,
    return
  }
}

</mosaic_0001>

<sc_bundles>
// kernel: kernel.4.cloned.1.call-start
scs
__scs_entry_jumppad:
0x0: {  	(pc) =	sbr.rel $0x88, $3  }
0x1: {  	(tag) =	ssettag $0x0;
	lr =	simm.s32 $0x1  }
0x2: {  	[smem:$0x3F9E] =	sst lr;
	_ =	strace $0xD0000000  }
0x3: {  	_ = 	snop  }
0x4: {  	_ = 	snop  }
0x5: {  	_ = 	snop  }
0x6: {  	_ = 	snop  }
0x7: {  	_ = 	snop  }
__scs_overlays_trampoline_lowered:
0x8: {  	[smem:$0x3FAD] =	sst s0  }
0x9: {  	[smem:$0x3FAE] =	sst s1  }
0xa: {  	[smem:$0x3FAF] =	sst s2  }
0xb: {  	[smem:$0x3FB0] =	sst s3  }
0xc: {  	[smem:$0x3FB1] =	sst s4  }
0xd: {  	[smem:$0x3FB2] =	sst s5  }
0xe: {  	[smem:$0x3FB3] =	sst s6  }
0xf: {  	[smem:$0x3FB4] =	sst s7  }
0x10: {  	[smem:$0x3FB5] =	sst s8  }
0x11: {  	[smem:$0x3FB6] =	sst s9;
	s0 =	simm.s32 @!p0 $0x0  }
0x12: {  	s1 =	sld [smem:$0x3F9C];
	s0 =	simm.s32 @p0 $0x1  }
0x13: {  	[smem:$0x3FB7] =	sst s0;
	s0 =	simm.s32 @!p1 $0x0  }
0x14: {  	s2 =	sld [smem:$0x3F9B];
	s0 =	simm.s32 @p1 $0x1  }
0x15: {  	[smem:$0x3FB8] =	sst s0;
	s0 =	simm.s32 @!p2 $0x0  }
0x16: {  	s3 =	sld [smem:$0x3FDB];
	s0 =	simm.s32 @p2 $0x1  }
0x17: {  	s4 =	simm.s32 $0x1BF5;
	[smem:$0x3FBA] =	sst s0  }
0x18: {  	s0 =	sld [smem:$0x3F9D];
	_ =	swait.ge [sflag:s4], $0x0  }
0x19: {  	s7 =	sld [smem:$0x3F9E]  }
0x1a: {  	s8 =	sadd.s32 $0xFFFFE003, lr  }
0x1b: {  	s9 =	sadd.s32 $0xFFFFFEF7, lr;
	s5 =	simm.s32 $0xFFFFFFFF;
	p2 =	slt.u32 s8, $0xFFFFF086  }
0x1c: {  	p1 =	slt.u32 s9, $0xF7A;
	s5 =	simm.s32 @!p2 $0x0  }
0x1d: {  	s5 =	simm.s32 @p1 $0x1;
	p0 =	seq.s32 s7, s2  }
0x1e: {  	s7 =	smul.u32 @!p0 $0xF7A, s2;
	p2 =	seq.s32 @!p0 s5, $0x0  }
0x1f: {  	s9 =	smul.u32 $0xF7A, s1;
	s8 =	simm.s32 @!p0 $0x1BF5;
	p2 =	por !p2, p0  }
0x20: {  	[sflag:s8] =	ssyncset.s32 @!p0 $0xFFFFF086;
	s6 =	sadd.s32 @!p0 s3, s7;
	s7 =	simm.s32 @!p0 $0x108  }
0x21: {  	s3 =	sadd.s32 s3, s9;
	s6 =	sadd.s32 @!p0 $0x88, s6;
	s7 =	simm.s32 @p2 $0x1082  }
0x22: {  	[simem:s7], [sflag:s8] =	dma.local @!p0 [hbm:s6], $0xF7A  }
0x23: {  	s9 =	sor.u32 $0xD0000000, s2;
	s6 =	simm.s32 $0x108;
	_ =	swait.ge @!p0 [sflag:s8], $0x0  }
0x24: {  	s3 =	sadd.s32 $0x88, s3;
	s6 =	simm.s32 @!p1 $0x1082;
	[sflag:s4] =	ssyncset.s32 $0xFFFFF086  }
0x25: {  	[simem:s6], [sflag:s4] =	dma.local [hbm:s3], $0xF7A  }
0x26: {  	[smem:$0x3F9E] =	sst s1;
	(tag) =	ssettag s2;
	_ =	strace s9  }
0x27: {  	s1 =	sld [smem:$0x3FAE]  }
0x28: {  	s2 =	sld [smem:$0x3FAF]  }
0x29: {  	s4 =	sld [smem:$0x3FB1]  }
0x2a: {  	p0 =	seq.s32 s5, $0x0;
	s5 =	sld [smem:$0x3FB2]  }
0x2b: {  	s6 =	sld [smem:$0x3FB3]  }
0x2c: {  	s7 =	sld [smem:$0x3FB4]  }
0x2d: {  	s3 =	simm.s32 $0x108;
	s8 =	sld [smem:$0x3FB5]  }
0x2e: {  	s3 =	simm.s32 @!p0 $0x1082;
	s9 =	sld [smem:$0x3FB6]  }
0x2f: {  	lr =	sadd.s32 s0, s3;
	s0 =	sld [smem:$0x3FAD]  }
0x30: {  	s3 =	sld [smem:$0x3FB0]  }
0x31: {  	[smem:$0x3FB9] =	sst s10  }
0x32: {  	s10 =	sld [smem:$0x3FB7];
	_ =	sdelay $0x3  }
0x33: {  	p0 =	seq.s32 s10, $0x1;
	s10 =	sld [smem:$0x3FB9];
	_ =	sdelay $0x3  }
0x34: {  	[smem:$0x3FB9] =	sst s10  }
0x35: {  	s10 =	sld [smem:$0x3FB8];
	_ =	sdelay $0x3  }
0x36: {  	p1 =	seq.s32 s10, $0x1;
	s10 =	sld [smem:$0x3FB9];
	_ =	sdelay $0x3  }
0x37: {  	[smem:$0x3FB9] =	sst s10  }
0x38: {  	s10 =	sld [smem:$0x3FBA]  }
0x39: {  	_ = 	snop;
	(pc) =	sbr.ind lr, $3  }
0x3a: {  	_ = 	snop  }
0x3b: {  	_ = 	snop  }
0x3c: {  	p2 =	seq.s32 s10, $0x1;
	s10 =	sld [smem:$0x3FB9]  }
0x3d: {  	_ =	shalt  }
0x3e: {  	_ =	shalt  }
0x3f: {  	_ =	shalt  }
0x40: {  	_ =	shalt  }
0x41: {  	_ =	shalt  }
0x42: {  	_ =	shalt  }
0x43: {  	_ =	shalt  }
0x44: {  	_ =	shalt  }
0x45: {  	_ =	shalt  }
0x46: {  	_ =	shalt  }
0x47: {  	_ =	shalt  }
0x48: {  	_ =	shalt  }
0x49: {  	_ =	shalt  }
0x4a: {  	_ =	shalt  }
0x4b: {  	_ =	shalt  }
0x4c: {  	_ =	shalt  }
0x4d: {  	_ =	shalt  }
0x4e: {  	_ =	shalt  }
0x4f: {  	_ =	shalt  }
0x50: {  	_ =	shalt  }
0x51: {  	_ =	shalt  }
0x52: {  	_ =	shalt  }
0x53: {  	_ =	shalt  }
0x54: {  	_ =	shalt  }
0x55: {  	_ =	shalt  }
0x56: {  	_ =	shalt  }
0x57: {  	_ =	shalt  }
0x58: {  	_ =	shalt  }
0x59: {  	_ =	shalt  }
0x5a: {  	_ =	shalt  }
0x5b: {  	_ =	shalt  }
0x5c: {  	_ =	shalt  }
0x5d: {  	_ =	shalt  }
0x5e: {  	_ =	shalt  }
0x5f: {  	_ =	shalt  }
0x60: {  	_ =	shalt  }
0x61: {  	_ =	shalt  }
0x62: {  	_ =	shalt  }
0x63: {  	_ =	shalt  }
0x64: {  	_ =	shalt  }
0x65: {  	_ =	shalt  }
0x66: {  	_ =	shalt  }
0x67: {  	_ =	shalt  }
0x68: {  	_ =	shalt  }
0x69: {  	_ =	shalt  }
0x6a: {  	_ =	shalt  }
0x6b: {  	_ =	shalt  }
0x6c: {  	_ =	shalt  }
0x6d: {  	_ =	shalt  }
0x6e: {  	_ =	shalt  }
0x6f: {  	_ =	shalt  }
0x70: {  	_ =	shalt  }
0x71: {  	_ =	shalt  }
0x72: {  	_ =	shalt  }
0x73: {  	_ =	shalt  }
0x74: {  	_ =	shalt  }
0x75: {  	_ =	shalt  }
0x76: {  	_ =	shalt  }
0x77: {  	_ =	shalt  }
0x78: {  	_ =	shalt  }
0x79: {  	_ =	shalt  }
0x7a: {  	_ =	shalt  }
0x7b: {  	_ =	shalt  }
0x7c: {  	_ =	shalt  }
0x7d: {  	_ =	shalt  }
0x7e: {  	_ =	shalt  }
0x7f: {  	_ =	shalt  }
0x80: {  	_ =	shalt  }
0x81: {  	_ =	shalt  }
0x82: {  	_ =	shalt  }
0x83: {  	_ =	shalt  }
0x84: {  	_ =	shalt  }
0x85: {  	_ =	shalt  }
0x86: {  	_ =	shalt  }
0x87: {  	_ =	shalt  }
.Lfunc_end0:
.L_simem_size_0:
called_computation_lowered:
.L_overlay_start_0:
0x88: {  	s2 =	sld [smem:$0x3FD9]  }
0x89: {  	s3 =	sld [smem:$0x3FFE];
	_ =	sdelay $0x1  }
0x8a: {  	s1 =	srdreg.scid  }
0x8b: {  	s0 =	sand.u32 $0x1, s1  }
0x8c: {  	s17 =	sshll.u32 s0, $0xA;
	s2 =	sadd.s32 s3, s2  }
0x8d: {  	s2 =	sadd.s32 s2, s17  }
0x8e: {  	[smem:$0x3FC5] =	sst s2  }
0x8f: {  	_ = 	snop  }
0x90: {  	s2 =	sld [smem:$0x3FD0];
	(tm) =	ssettm $0x1  }
0x91: {  	s18 =	sld [smem:$0x3FFB];
	_ =	sdelay $0x3  }
0x92: {  	_ =	strace s18  }
0x93: {  	s3 =	sld [smem:$0x3FFC];
	_ =	sdelay $0x3  }
0x94: {  	_ =	strace s3  }
0x95: {  	s3 =	sld [smem:$0x3FFD];
	_ =	sdelay $0x3  }
0x96: {  	_ =	strace s3  }
0x97: {  	_ =	strace $0x8FFFFFFF  }
0x98: {  	s19 =	sld [smem:$0x3FDB];
	_ =	sdelay $0x1  }
0x99: {  	s4 =	simm.s32 $_scs_section_size  }
0x9a: {  	s5 =	simm.s32 $_size__tile_overlayer_lowered;
	s6 =	simm.s32 $_tile_overlayer_lowered  }
0x9b: {  	s22 =	simm.s32 $0x1BFF;
	s21 =	sshll.u32 s6, $0x1;
	s3 =	sadd.s32 s4, s19  }
0x9c: {  	s7 =	simm.s32 $0x0;
	s20 =	sshll.u32 s5, $0x1;
	s5 =	sadd.s32 s21, s3  }
0x9d: {  	[timem:s7], [sflag:s22] =	dma.local [hbm:s5], s20  }
0x9e: {  	_ =	swait.ge [sflag:s22], s20  }
0x9f: {  	s4 =	ssub.s32 $0x0, s20;
	[sflag:s22] =	ssyncset.done $0x0  }
0xa0: {  	[sflag:s22] =	ssyncadd.s32 s4;
	_ =	sdelay $0x1  }
0xa1: {  	s23 =	simm.s32 $0x1B8B  }
0xa2: {  	_ =	swait.ge [sflag:s23], $0x1  }
0xa3: {  	[sflag:s23] =	ssyncset.done $0x0  }
0xa4: {  	s25 =	simm.s32 $0x1B8E;
	s24 =	sld [smem:$0x3FFE];
	[sflag:s23] =	ssyncadd.s32 $0xFFFFFFFF  }
0xa5: {  	s26 =	simm.s32 $execute0_lowered;
	[smem:$0x3FD2] =	sst s25  }
0xa6: {  	s5 =	sshll.u32 s26, $0x1;
	_ =	strace $0x80000046;
	[dreg:$0x1] =	wrdreg $0xFFFFFFFF  }
0xa7: {  	s28 =	simm.s32 $_size_execute0_lowered;
	s3 =	sadd.s32 s3, s5;
	[dreg:$0x0] =	wrdreg $0x0  }
0xa8: {  	s5 =	sshll.u32 s28, $0x1;
	[dreg:$0x2] =	wrdreg s3  }
0xa9: {  	[dreg:$0x3] =	wrdreg s5  }
0xaa: {  	[dreg:$0x4] =	wrdreg $0xC0  }
0xab: {  	_ =	task [dreg:s7], $0x5FFFF  }
0xac: {  	[dreg:$0x1] =	wrdreg $0xFFFFFFFF  }
0xad: {  	[dreg:$0x0] =	wrdreg $0x60  }
0xae: {  	[dreg:$0x2] =	wrdreg s2  }
0xaf: {  	[dreg:$0x3] =	wrdreg s24  }
0xb0: {  	[dreg:$0x4] =	wrdreg $0x13C800  }
0xb1: {  	[dreg:$0x5] =	wrdreg $0x9  }
0xb2: {  	_ =	task.clear_ibuf [dreg:s7], $0x6FFFF;
	_ =	strace $0x90000046  }
0xb3: {  	s29 =	simm.s32 $0x9;
	_ =	strace $0x80000048  }
0xb4: {  	_ =	swait.ge [sflag:s29], $0x1  }
0xb5: {  	[sflag:s29] =	ssyncadd.s32 $0xFFFFFFFF  }
0xb6: {  	_ =	strace $0x90000048  }
0xb7: {  	_ =	sfence  }
0xb8: {  	s30 =	sld [smem:$0x0];
	_ =	sdelay $0x2  }
0xb9: {  	s31 =	sshll.u32 s1, $0xD;
	s1 =	sshrl.u32 s1, $0x2  }
0xba: {  	s3 =	sand.u32 $0x4000, s31;
	s1 =	sadd.s32 s1, s30  }
0xbb: {  	s0 =	sor.u32 s3, s0;
	s1 =	sshll.u32 s1, $0x11  }
0xbc: {  	s0 =	sor.u32 s1, s0  }
0xbd: {  	s0 =	sadd.s32 $0x8F2B, s0  }
0xbe: {  	[sflag:s0] =	ssyncadd.remote.s32 $0x1  }
0xbf: {  	_ =	sfence.sel $0xFFFF  }
0xc0: {  	[dreg:$0x0] =	wrdreg $0xFFFFFFFF;
	(pc) =	sbr.abs _section_cstart, $3  }
0xc1: {  	[dreg:$0x1] =	wrdreg $0xFFFFFFFF  }
0xc2: {  	_ =	task.clear_ibuf [dreg:s7], $0x2FFFF;
	_ =	strace $0x9FFFFFFF  }
0xc3: {  	(tm) =	ssettm $0x7FFFFFFF  }
tec
execute0_lowered:
.L_overlay_start_1:
0x0: {  	(tag) =	ssettag $0x1  }
0x1: {  	s0 =	rddreg [dreg:$0x0]  }
0x2: {  	s3 =	rddreg [dreg:$0x1]  }
0x3: {  	s1 =	rddreg [dreg:$0x2]  }
0x4: {  	s2 =	simm.s32 $0x0;
	s4 =	srdreg.scid;
	s6 =	stileid.u32  }
0x5: {  	s22 =	simm.s32 $0x38;
	s11 =	simm.s32 $0x12080;
	s23 =	simm.s32 $0x5C80  }
0x6: {  	s12 =	simm.s32 $0x1;
	s24 =	simm.s32 $0x7880;
	s13 =	simm.s32 $0x2  }
0x7: {  	s25 =	simm.s32 $0x9480;
	s14 =	simm.s32 $0x3;
	s26 =	simm.s32 $0xB080  }
0x8: {  	s15 =	simm.s32 $0x4;
	[smem:$0x7FF] =	sst s2;
	s5 =	sadd.s32 $0xA00, s3  }
0x9: {  	s28 =	simm.s32 $0xCC80;
	_ =	strace $0x80000047;
	[dreg:$0xc] =	wrdreg s5  }
0xa: {  	s16 =	simm.s32 $0x5;
	s30 =	simm.s32 $0xE880;
	[dreg:$0x4] =	wrdreg s22  }
0xb: {  	s31 =	simm.s32 $0x10480;
	s29 =	simm.s32 $0x0;
	[dreg:$0x5] =	wrdreg s23  }
0xc: {  	s7 =	sand.u32 $0x1, s4;
	s4 =	sadd.s32 $0xE00, s3;
	[dreg:$0x6] =	wrdreg s24  }
0xd: {  	s17 =	sshll.u32 s6, $0x8;
	s19 =	smul.u32 $0x38000, s6;
	[dreg:$0x7] =	wrdreg s25  }
0xe: {  	s18 =	sshll.u32 s7, $0x7;
	s8 =	ssub.s32 $0x2, s7;
	[dreg:$0x8] =	wrdreg s26  }
0xf: {  	s7 =	smul.u32 $0x1C000, s7;
	[dreg:$0x9] =	wrdreg s28;
	s5 =	sor.u32 s18, s17  }
0x10: {  	[dreg:$0xa] =	wrdreg s30;
	s9 =	sshrl.u32 s8, $0x1;
	s10 =	sshll.u32 s5, $0x4  }
0x11: {  	v0 =	vlaneseq.u32;
	[dreg:$0xb] =	wrdreg s31;
	s8 =	ssub.s32 s8, s9;
	s0 =	sadd.s32 s0, s10  }
0x12: {  	v6 =	vimm.s32 $0x62;
	vm0 =	vcmask $0x300;
	v0 =	vmul.u32 $0x2, v0;
	s20 =	sadd.s32 s19, s4;
	s21 =	smax.u32 s8, $0x1;
	[dreg:$0xd] =	wrdreg s0  }
0x13: {  	v7 =	vimm.s32 $0x63;
	p0 =	sne.s32 s6, $0x0;
	v6 =	vsel vm0, $0x60, v6;
	[dreg:$0xe] =	wrdreg s21;
	s0 =	sadd.s32 s7, s20  }
0x14: {  	v7 =	vsel vm0, $0x61, v7;
	s17 =	simm.s32 $0x6;
	v1 =	vor.u32 $0x1, v0;
	v2 =	vor.u32 $0x20, v0;
	[dreg:$0xf] =	wrdreg s0;
	s0 =	sshrl.u32 @!p0 s1, $0x3  }
0x15: {  	s18 =	simm.s32 $0x7;
	s19 =	simm.s32 $0x8;
	v3 =	vor.u32 $0x21, v0;
	v4 =	vor.u32 $0x40, v0;
	v5 =	vor.u32 $0x41, v0;
	[dreg:$0x10] =	wrdreg s0  }
.LBB2_1:
0x16: {  	s3 =	rddreg [dreg:$0xc]  }
0x17: {  	s0 =	simm.s32 @!p0 $0x1C11;
	s6 =	rddreg [dreg:$0x10]  }
0x18: {  	[spmem:s6], [sflag:s0] =	dma.local @!p0 [hbm:s3], $0x380  }
0x19: {  	s0 =	simm.s32 @!p0 $0x11  }
0x1a: {  	_ =	swait.ge @!p0 [sflag:s0], $0x380  }
0x1b: {  	[sflag:s0] =	ssyncset.done @!p0 $0x0  }
0x1c: {  	[sflag:s0] =	ssyncadd.s32 @!p0 $0xFFFFFC80  }
0x1d: {  	s28 =	simm.s32 $0x0;
	[bflag:$0x0] =	sbarrier.arrive $0xFFFF  }
0x1e: {  	s31 =	simm.s32 $0x11;
	v8 =	vor.u32 s28, v0;
	s30 =	rddreg [dreg:$0xd]  }
0x1f: {  	v9 =	vor.u32 s28, v1;
	[tilespmem:s2], [sflag:$0x11] =	stream.linear.gather [hbm4b:s30+s2], $0x4000, $0x38;
	[tilespmem:$0x13E40] =	vst v63  }
0x20: {  	_ =	swait.ge [sflag:s31], $0x4000  }
0x21: {  	[sflag:s31] =	ssyncset.done $0x0  }
0x22: {  	[sflag:s31] =	ssyncadd.s32 $0xFFFFC000  }
0x23: {  	v8 =	vld.idx.msk [tilespmem:v8+s2+$0x0], $0xffff  }
0x24: {  	v9 =	vld.idx.msk [tilespmem:v9+s2+$0x0], $0xffff;
	_ =	sdelay $0x1  }
0x25: {  	v10 =	vor.u32 s28, v2  }
0x26: {  	v11 =	vor.u32 s28, v3  }
0x27: {  	v8 =	vshll.u32 v8, $0x2  }
0x28: {  	s0 =	simm.s32 $0x4020;
	v8 =	vadd.s32 v9, v8  }
0x29: {  	[tilespmem:s0+$0xFFFFFFE0] =	vst v8  }
0x2a: {  	v8 =	vld.idx.msk [tilespmem:v10+s2+$0x0], $0xffff  }
0x2b: {  	v9 =	vld.idx.msk [tilespmem:v11+s2+$0x0], $0xffff;
	_ =	sdelay $0x1  }
0x2c: {  	v10 =	vor.u32 s28, v4  }
0x2d: {  	v11 =	vor.u32 s28, v5  }
0x2e: {  	v8 =	vshll.u32 v8, $0x2  }
0x2f: {  	v8 =	vadd.s32 v9, v8  }
0x30: {  	[tilespmem:s0+$0xFFFFFFF0] =	vst v8  }
0x31: {  	v8 =	vld.idx.msk [tilespmem:v10+s2+$0x0], $0xffff  }
0x32: {  	v9 =	vld.idx.msk [tilespmem:v11+s2+$0x0], $0xffff;
	_ =	sdelay $0x1  }
0x33: {  	v10 =	vor.u32 s28, v6  }
0x34: {  	v11 =	vor.u32 s28, v7  }
0x35: {  	v8 =	vshll.u32 v8, $0x2  }
0x36: {  	v8 =	vadd.s32 v9, v8  }
0x37: {  	[tilespmem:s0+$0x0] =	vst v8  }
0x38: {  	v8 =	vld.idx.msk [tilespmem:v10+s2+$0x0], $0xffff  }
0x39: {  	v9 =	vld.idx.msk [tilespmem:v11+s2+$0x0], $0xffff  }
0x3a: {  	s7 =	simm.s32 $0x2;
	s6 =	simm.s32 $0x80  }
.LBB2_2:
0x3b: {  	p1 =	sne.s32 s7, $0x7F;
	v10 =	vor.u32 s6, v0  }
0x3c: {  	v11 =	vor.u32 s6, v1  }
0x3d: {  	v8 =	vshll.u32 v8, $0x2  }
0x3e: {  	v8 =	vadd.s32 v9, v8  }
0x3f: {  	s3 =	simm.s32 $0x0;
	[tilespmem:s0+$0x10] =	vst v8  }
0x40: {  	v8 =	vld.idx.msk [tilespmem:v10+s3+$0x0], $0xffff  }
0x41: {  	v9 =	vld.idx.msk [tilespmem:v11+s3+$0x0], $0xffff;
	_ =	sdelay $0x2  }
0x42: {  	v10 =	vor.u32 s6, v2  }
0x43: {  	v11 =	vor.u32 s6, v3  }
0x44: {  	v8 =	vshll.u32 v8, $0x2  }
0x45: {  	s0 =	sadd.s32 $0x38, s0;
	v8 =	vadd.s32 v9, v8  }
0x46: {  	[tilespmem:s0+$0xFFFFFFE0] =	vst v8  }
0x47: {  	v8 =	vld.idx.msk [tilespmem:v10+s3+$0x0], $0xffff  }
0x48: {  	v9 =	vld.idx.msk [tilespmem:v11+s3+$0x0], $0xffff;
	_ =	sdelay $0x2  }
0x49: {  	v10 =	vor.u32 s6, v4  }
0x4a: {  	v11 =	vor.u32 s6, v5  }
0x4b: {  	v8 =	vshll.u32 v8, $0x2  }
0x4c: {  	v8 =	vadd.s32 v9, v8  }
0x4d: {  	[tilespmem:s0+$0xFFFFFFF0] =	vst v8  }
0x4e: {  	v8 =	vld.idx.msk [tilespmem:v10+s3+$0x0], $0xffff  }
0x4f: {  	v9 =	vld.idx.msk [tilespmem:v11+s3+$0x0], $0xffff;
	_ =	sdelay $0x2  }
0x50: {  	v10 =	vor.u32 s6, v6  }
0x51: {  	v11 =	vor.u32 s6, v7  }
0x52: {  	v8 =	vshll.u32 v8, $0x2  }
0x53: {  	v8 =	vadd.s32 v9, v8  }
.Ltmp0:
0x54: {  	[tilespmem:s0+$0x0] =	vst v8;
	(pc) =	sbr.rel @p1 .LBB2_2-.Ltmp0, $3  }
0x55: {  	v8 =	vld.idx.msk [tilespmem:v10+s3+$0x0], $0xffff  }
0x56: {  	v9 =	vld.idx.msk [tilespmem:v11+s3+$0x0], $0xffff;
	_ =	sdelay $0x1  }
0x57: {  	s6 =	sshll.u32 s7, $0x7;
	s7 =	sadd.s32 $0x1, s7  }
0x58: {  	v10 =	vor.u32 s6, v0  }
0x59: {  	v11 =	vor.u32 s6, v1  }
0x5a: {  	v8 =	vshll.u32 v8, $0x2  }
0x5b: {  	v8 =	vadd.s32 v9, v8  }
0x5c: {  	[tilespmem:s0+$0x10] =	vst v8  }
0x5d: {  	v8 =	vld.idx.msk [tilespmem:v10+s3+$0x0], $0xffff  }
0x5e: {  	v54 =	vld.idx.msk [tilespmem:v11+s3+$0x0], $0xffff;
	_ =	sdelay $0x1  }
0x5f: {  	v55 =	vor.u32 s6, v2  }
0x60: {  	v56 =	vor.u32 s6, v3  }
0x61: {  	v8 =	vshll.u32 v8, $0x2  }
0x62: {  	s31 =	sadd.s32 $0x38, s0;
	v8 =	vadd.s32 v54, v8  }
0x63: {  	[tilespmem:s31+$0xFFFFFFE0] =	vst v8  }
0x64: {  	v8 =	vld.idx.msk [tilespmem:v55+s3+$0x0], $0xffff  }
0x65: {  	v57 =	vld.idx.msk [tilespmem:v56+s3+$0x0], $0xffff;
	_ =	sdelay $0x1  }
0x66: {  	v58 =	vor.u32 s6, v4  }
0x67: {  	v59 =	vor.u32 s6, v5  }
0x68: {  	v8 =	vshll.u32 v8, $0x2  }
0x69: {  	v8 =	vadd.s32 v57, v8  }
0x6a: {  	[tilespmem:s31+$0xFFFFFFF0] =	vst v8  }
0x6b: {  	v8 =	vld.idx.msk [tilespmem:v58+s3+$0x0], $0xffff  }
0x6c: {  	v60 =	vld.idx.msk [tilespmem:v59+s3+$0x0], $0xffff;
	_ =	sdelay $0x1  }
0x6d: {  	v61 =	vor.u32 s6, v6  }
0x6e: {  	v62 =	vor.u32 s6, v7  }
0x6f: {  	v8 =	vshll.u32 v8, $0x2  }
0x70: {  	v8 =	vadd.s32 v60, v8  }
0x71: {  	[tilespmem:s31+$0x0] =	vst v8  }
0x72: {  	v8 =	vld.idx.msk [tilespmem:v61+s3+$0x0], $0xffff  }
0x73: {  	v63 =	vld.idx.msk [tilespmem:v62+s3+$0x0], $0xffff  }
0x74: {  	p3 =	por $0x1, $0x1  }
.Ltmp1:
0x75: {  	_ = 	snop;
	(pc) =	sbr.rel @!p3 .LBB2_4-.Ltmp1, $4  }
0x76: {  	_ = 	snop  }
0x77: {  	v8 =	vshll.u32 v8, $0x2  }
0x78: {  	s30 =	simm.s32 $0x6;
	v8 =	vadd.s32 v63, v8  }
0x79: {  	p1 =	por $0x0, $0x0;
	p2 =	por $0x0, $0x0;
	s0 =	simm.s32 $0x700;
	[tilespmem:s31+$0x10] =	vst v8  }
0x7a: {  	s3 =	simm.s32 @p1 $0x9  }
0x7b: {  	_ =	swait.ge @p1 [sflag:s3], $0x1900  }
0x7c: {  	s6 =	simm.s32 @p1 $0x4000;
	s7 =	simm.s32 @p1 $0x38;
	[sflag:s3] =	ssyncset.done @p1 $0x0  }
0x7d: {  	s9 =	simm.s32 @p1 $0xA;
	[sflag:s3] =	ssyncadd.s32 @p1 $0xFFFFE700;
	s3 =	simm.s32 @p1 $0x5C80  }
0x7e: {  	[tilespmem:s3], [sflag:$0x1] =	stream.indirect.gather @p1 [spmem:s1], $0x80, s6, s7, $0xb8;
	[tilespmem:$0x13E40] =	vst v63  }
0x7f: {  	_ =	swait.ge @p1 [sflag:s9], $0x1900  }
0x80: {  	s10 =	simm.s32 @p1 $0xB;
	[sflag:s9] =	ssyncset.done @p1 $0x0  }
0x81: {  	s3 =	simm.s32 @p1 $0x4038;
	s6 =	simm.s32 @p1 $0x7880;
	[sflag:s9] =	ssyncadd.s32 @p1 $0xFFFFE700  }
0x82: {  	[tilespmem:s6], [sflag:$0x2] =	stream.indirect.gather @p1 [spmem:s1], $0x80, s3, s7, $0xb8;
	[tilespmem:$0x13E40] =	vst v63  }
0x83: {  	_ =	swait.ge @p1 [sflag:s10], $0x1900  }
0x84: {  	s9 =	simm.s32 @p1 $0xC;
	[sflag:s10] =	ssyncset.done @p1 $0x0  }
0x85: {  	s3 =	simm.s32 @p1 $0x4070;
	s6 =	simm.s32 @p1 $0x9480;
	[sflag:s10] =	ssyncadd.s32 @p1 $0xFFFFE700  }
0x86: {  	[tilespmem:s6], [sflag:$0x3] =	stream.indirect.gather @p1 [spmem:s1], $0x80, s3, s7, $0xb8;
	[tilespmem:$0x13E40] =	vst v63  }
0x87: {  	_ =	swait.ge @p1 [sflag:s9], $0x1900  }
0x88: {  	s10 =	simm.s32 @p1 $0xD;
	[sflag:s9] =	ssyncset.done @p1 $0x0  }
0x89: {  	s3 =	simm.s32 @p1 $0x40A8;
	s6 =	simm.s32 @p1 $0xB080;
	[sflag:s9] =	ssyncadd.s32 @p1 $0xFFFFE700  }
0x8a: {  	[tilespmem:s6], [sflag:$0x4] =	stream.indirect.gather @p1 [spmem:s1], $0x80, s3, s7, $0xb8;
	[tilespmem:$0x13E40] =	vst v63  }
0x8b: {  	_ =	swait.ge @p1 [sflag:s10], $0x1900  }
0x8c: {  	s9 =	simm.s32 @p1 $0xE;
	[sflag:s10] =	ssyncset.done @p1 $0x0  }
0x8d: {  	s3 =	simm.s32 @p1 $0x40E0;
	s6 =	simm.s32 @p1 $0xCC80;
	[sflag:s10] =	ssyncadd.s32 @p1 $0xFFFFE700  }
0x8e: {  	[tilespmem:s6], [sflag:$0x5] =	stream.indirect.gather @p1 [spmem:s1], $0x80, s3, s7, $0xb8;
	[tilespmem:$0x13E40] =	vst v63  }
0x8f: {  	_ =	swait.ge @p1 [sflag:s9], $0x1900  }
0x90: {  	s10 =	simm.s32 @p1 $0xF;
	[sflag:s9] =	ssyncset.done @p1 $0x0  }
0x91: {  	s3 =	simm.s32 @p1 $0x4118;
	s6 =	simm.s32 @p1 $0xE880;
	[sflag:s9] =	ssyncadd.s32 @p1 $0xFFFFE700  }
0x92: {  	[tilespmem:s6], [sflag:$0x6] =	stream.indirect.gather @p1 [spmem:s1], $0x80, s3, s7, $0xb8;
	[tilespmem:$0x13E40] =	vst v63  }
0x93: {  	_ =	swait.ge @p1 [sflag:s10], $0x1900  }
0x94: {  	s9 =	simm.s32 @p1 $0x10;
	[sflag:s10] =	ssyncset.done @p1 $0x0  }
0x95: {  	s3 =	simm.s32 @p1 $0x4150;
	s6 =	simm.s32 @p1 $0x10480;
	[sflag:s10] =	ssyncadd.s32 @p1 $0xFFFFE700  }
0x96: {  	[tilespmem:s6], [sflag:$0x7] =	stream.indirect.gather @p1 [spmem:s1], $0x80, s3, s7, $0xb8;
	[tilespmem:$0x13E40] =	vst v63  }
0x97: {  	_ =	swait.ge @p1 [sflag:s9], $0x1900  }
0x98: {  	s3 =	simm.s32 @!p1 $0x38;
	[sflag:s9] =	ssyncset.done @p1 $0x0  }
0x99: {  	s6 =	simm.s32 @!p1 $0x4000;
	s7 =	simm.s32 @!p1 $0x5C80;
	[sflag:s9] =	ssyncadd.s32 @p1 $0xFFFFE700  }
0x9a: {  	[tilespmem:s7], [sflag:$0x1] =	stream.indirect.gather @!p1 [spmem:s1], $0x80, s6, s3, $0xb8;
	[tilespmem:$0x13E40] =	vst v63  }
0x9b: {  	s6 =	simm.s32 @!p1 $0x4038;
	s7 =	simm.s32 @!p1 $0x7880  }
0x9c: {  	[tilespmem:s7], [sflag:$0x2] =	stream.indirect.gather @!p1 [spmem:s1], $0x80, s6, s3, $0xb8;
	[tilespmem:$0x13E40] =	vst v63  }
0x9d: {  	s6 =	simm.s32 @!p1 $0x4070;
	s7 =	simm.s32 @!p1 $0x9480  }
0x9e: {  	[tilespmem:s7], [sflag:$0x3] =	stream.indirect.gather @!p1 [spmem:s1], $0x80, s6, s3, $0xb8;
	[tilespmem:$0x13E40] =	vst v63  }
0x9f: {  	s6 =	simm.s32 @!p1 $0x40A8;
	s7 =	simm.s32 @!p1 $0xB080  }
0xa0: {  	[tilespmem:s7], [sflag:$0x4] =	stream.indirect.gather @!p1 [spmem:s1], $0x80, s6, s3, $0xb8;
	[tilespmem:$0x13E40] =	vst v63  }
0xa1: {  	s6 =	simm.s32 @!p1 $0x40E0;
	s7 =	simm.s32 @!p1 $0xCC80  }
0xa2: {  	[tilespmem:s7], [sflag:$0x5] =	stream.indirect.gather @!p1 [spmem:s1], $0x80, s6, s3, $0xb8;
	[tilespmem:$0x13E40] =	vst v63  }
0xa3: {  	s6 =	simm.s32 @!p1 $0x4118;
	s7 =	simm.s32 @!p1 $0xE880  }
0xa4: {  	[tilespmem:s7], [sflag:$0x6] =	stream.indirect.gather @!p1 [spmem:s1], $0x80, s6, s3, $0xb8;
	[tilespmem:$0x13E40] =	vst v63  }
0xa5: {  	s6 =	simm.s32 @!p1 $0x4150;
	s7 =	simm.s32 @!p1 $0x10480  }
0xa6: {  	[tilespmem:s7], [sflag:$0x7] =	stream.indirect.gather @!p1 [spmem:s1], $0x80, s6, s3, $0xb8;
	[tilespmem:$0x13E40] =	vst v63  }
0xa7: {  	s24 =	simm.s32 $0x4188;
	s23 =	rddreg [dreg:$0x4]  }
0xa8: {  	[tilespmem:s11], [sflag:$0x8] =	stream.indirect.gather [spmem:s1], $0x80, s24, s23, $0xb8;
	[tilespmem:$0x13E40] =	vst v63  }
0xa9: {  	s6 =	simm.s32 @p1 $0x1;
	s7 =	simm.s32 @p1 $0x2;
	_ =	swait.ge [sflag:s12], $0x1C00  }
0xaa: {  	s6 =	simm.s32 @!p1 $0x1;
	s25 =	rddreg [dreg:$0x5];
	[sflag:s12] =	ssyncset.done $0x0  }
0xab: {  	s26 =	sadd.s32 s5, s6;
	s8 =	rddreg [dreg:$0xf];
	[sflag:s12] =	ssyncadd.s32 $0xFFFFE400  }
0xac: {  	[hbm4b:s8+s2] =	stream.linear.scatter [tilespmem:s25], [sflag:$0x9], $0x1900, $0x38;
	[tilespmem:$0x13E40] =	vst v63  }
0xad: {  	s7 =	simm.s32 @!p1 $0x2;
	s3 =	smul.u32 $0x380, s26;
	_ =	swait.ge [sflag:s13], $0x1C00  }
0xae: {  	s7 =	sadd.s32 s5, s7;
	[sflag:s13] =	ssyncset.done $0x0  }
0xaf: {  	s3 =	sadd.s32 s4, s3;
	s28 =	rddreg [dreg:$0x6];
	[sflag:s13] =	ssyncadd.s32 $0xFFFFE400  }
0xb0: {  	[hbm4b:s3+s2] =	stream.linear.scatter [tilespmem:s28], [sflag:$0xA], $0x1900, $0x38;
	[tilespmem:$0x13E40] =	vst v63  }
0xb1: {  	s3 =	smul.u32 $0x380, s7;
	s7 =	simm.s32 @p1 $0x3  }
0xb2: {  	_ =	swait.ge [sflag:s14], $0x1C00;
	s7 =	simm.s32 @!p1 $0x3  }
0xb3: {  	s9 =	rddreg [dreg:$0x7];
	[sflag:s14] =	ssyncset.done $0x0;
	s3 =	sadd.s32 s4, s3  }
0xb4: {  	s10 =	sadd.s32 s5, s7;
	s7 =	simm.s32 @p1 $0x4;
	[sflag:s14] =	ssyncadd.s32 $0xFFFFE400  }
0xb5: {  	[hbm4b:s3+s2] =	stream.linear.scatter [tilespmem:s9], [sflag:$0xB], $0x1900, $0x38;
	[tilespmem:$0x13E40] =	vst v63  }
0xb6: {  	s7 =	simm.s32 @!p1 $0x4;
	s3 =	smul.u32 $0x380, s10;
	_ =	swait.ge [sflag:s15], $0x1C00  }
0xb7: {  	s21 =	sadd.s32 s5, s7;
	s7 =	simm.s32 @p1 $0x5;
	[sflag:s15] =	ssyncset.done $0x0  }
0xb8: {  	s20 =	rddreg [dreg:$0x8];
	s3 =	sadd.s32 s4, s3;
	[sflag:s15] =	ssyncadd.s32 $0xFFFFE400  }
0xb9: {  	[hbm4b:s3+s2] =	stream.linear.scatter [tilespmem:s20], [sflag:$0xC], $0x1900, $0x38;
	[tilespmem:$0x13E40] =	vst v63  }
0xba: {  	s7 =	simm.s32 @!p1 $0x5;
	s3 =	smul.u32 $0x380, s21;
	_ =	swait.ge [sflag:s16], $0x1C00  }
0xbb: {  	s30 =	simm.s32 @!p1 $0x6;
	s23 =	sadd.s32 s5, s7;
	[sflag:s16] =	ssyncset.done $0x0  }
0xbc: {  	s22 =	rddreg [dreg:$0x9];
	s3 =	sadd.s32 s4, s3;
	[sflag:s16] =	ssyncadd.s32 $0xFFFFE400  }
0xbd: {  	[hbm4b:s3+s2] =	stream.linear.scatter [tilespmem:s22], [sflag:$0xD], $0x1900, $0x38;
	[tilespmem:$0x13E40] =	vst v63  }
0xbe: {  	s25 =	sadd.s32 s5, s30;
	s3 =	smul.u32 $0x380, s23;
	_ =	swait.ge [sflag:s17], $0x1C00  }
0xbf: {  	p3 =	por $0x1, $0x1;
	s26 =	smul.u32 $0x380, s25;
	[sflag:s17] =	ssyncset.done $0x0  }
0xc0: {  	s24 =	rddreg [dreg:$0xa];
	s3 =	sadd.s32 s4, s3;
	[sflag:s17] =	ssyncadd.s32 $0xFFFFE400  }
0xc1: {  	[hbm4b:s3+s2] =	stream.linear.scatter [tilespmem:s24], [sflag:$0xE], $0x1900, $0x38;
	[tilespmem:$0x13E40] =	vst v63  }
.Ltmp2:
0xc2: {  	p2 =	por $0x1, $0x1;
	_ =	swait.ge [sflag:s18], $0x1C00;
	(pc) =	sbr.rel @!p3 .LBB2_6-.Ltmp2, $4  }
0xc3: {  	s31 =	sadd.s32 $0x1C00, s8;
	s30 =	simm.s32 $0xE;
	[sflag:s18] =	ssyncset.done $0x0  }
0xc4: {  	s6 =	sadd.s32 s4, s26;
	s28 =	rddreg [dreg:$0xb];
	[sflag:s18] =	ssyncadd.s32 $0xFFFFE400  }
0xc5: {  	[hbm4b:s6+s2] =	stream.linear.scatter [tilespmem:s28], [sflag:$0xF], $0x1900, $0x38;
	[tilespmem:$0x13E40] =	vst v63  }
0xc6: {  	p1 =	por $0x1, $0x1;
	s3 =	simm.s32 $0xE00;
	s6 =	sadd.s32 $0x1880, s8  }
.LBB2_7:
0xc7: {  	_ =	swait.ge [sflag:s19], $0x1C00  }
0xc8: {  	[sflag:s19] =	ssyncset.done $0x0  }
0xc9: {  	s7 =	simm.s32 @p1 $0x9;
	[sflag:s19] =	ssyncadd.s32 $0xFFFFE400  }
0xca: {  	[hbm4b:s6+s2] =	stream.linear.scatter [tilespmem:s11], [sflag:$0x10], $0x1900, $0x38;
	[tilespmem:$0x13E40] =	vst v63  }
0xcb: {  	s22 =	sshra.s32 @p1 s0, $0x2;
	_ =	swait.ge @p1 [sflag:s7], $0x1900  }
0xcc: {  	s20 =	simm.s32 @p1 $0x38;
	s23 =	simm.s32 @p1 $0xA;
	[sflag:s7] =	ssyncset.done @p1 $0x0  }
0xcd: {  	s6 =	sadd.s32 @p1 $0x4000, s22;
	[sflag:s7] =	ssyncadd.s32 @p1 $0xFFFFE700;
	s7 =	simm.s32 @p1 $0x5C80  }
0xce: {  	[tilespmem:s7], [sflag:$0x1] =	stream.indirect.gather @p1 [spmem:s1], $0x80, s6, s20, $0xb8;
	[tilespmem:$0x13E40] =	vst v63  }
0xcf: {  	_ =	swait.ge @p1 [sflag:s23], $0x1900  }
0xd0: {  	s9 =	sadd.s32 @p1 $0xFFFFFFFE, s30;
	s26 =	simm.s32 @p1 $0xB;
	[sflag:s23] =	ssyncset.done @p1 $0x0  }
0xd1: {  	s24 =	sadd.s32 @p1 $0x4038, s22;
	s6 =	simm.s32 @p1 $0x7880;
	[sflag:s23] =	ssyncadd.s32 @p1 $0xFFFFE700  }
0xd2: {  	[tilespmem:s6], [sflag:$0x2] =	stream.indirect.gather @p1 [spmem:s1], $0x80, s24, s20, $0xb8;
	[tilespmem:$0x13E40] =	vst v63  }
0xd3: {  	s21 =	sadd.s32 @p1 $0xFFFFFFFF, s30;
	s9 =	simm.s32 @!p1 $0x4;
	_ =	swait.ge @p1 [sflag:s26], $0x1900  }
0xd4: {  	s25 =	sadd.s32 @p1 $0x40A8, s22;
	s28 =	sadd.s32 @p1 $0x4070, s22;
	[sflag:s26] =	ssyncset.done @p1 $0x0  }
0xd5: {  	s6 =	simm.s32 @p1 $0x9480;
	s24 =	simm.s32 @p1 $0xC;
	[sflag:s26] =	ssyncadd.s32 @p1 $0xFFFFE700  }
0xd6: {  	[tilespmem:s6], [sflag:$0x3] =	stream.indirect.gather @p1 [spmem:s1], $0x80, s28, s20, $0xb8;
	[tilespmem:$0x13E40] =	vst v63  }
0xd7: {  	s21 =	simm.s32 @!p1 $0x5;
	s9 =	sadd.s32 s5, s9;
	_ =	swait.ge @p1 [sflag:s24], $0x1900  }
0xd8: {  	s7 =	smul.u32 $0x380, s9;
	s9 =	sadd.s32 s5, s21;
	[sflag:s24] =	ssyncset.done @p1 $0x0  }
0xd9: {  	s21 =	simm.s32 @p1 $0xB080;
	s28 =	simm.s32 @p1 $0xD;
	[sflag:s24] =	ssyncadd.s32 @p1 $0xFFFFE700  }
0xda: {  	[tilespmem:s21], [sflag:$0x4] =	stream.indirect.gather @p1 [spmem:s1], $0x80, s25, s20, $0xb8;
	[tilespmem:$0x13E40] =	vst v63  }
0xdb: {  	_ =	swait.ge @p1 [sflag:s28], $0x1900  }
0xdc: {  	s23 =	sadd.s32 @p1 $0x40E0, s22;
	[sflag:s28] =	ssyncset.done @p1 $0x0  }
0xdd: {  	s24 =	simm.s32 @p1 $0xE;
	s21 =	simm.s32 @p1 $0xCC80;
	[sflag:s28] =	ssyncadd.s32 @p1 $0xFFFFE700  }
0xde: {  	[tilespmem:s21], [sflag:$0x5] =	stream.indirect.gather @p1 [spmem:s1], $0x80, s23, s20, $0xb8;
	[tilespmem:$0x13E40] =	vst v63  }
0xdf: {  	_ =	swait.ge @p1 [sflag:s24], $0x1900  }
0xe0: {  	s8 =	sadd.s32 @p1 $0x4118, s22;
	[sflag:s24] =	ssyncset.done @p1 $0x0  }
0xe1: {  	s21 =	simm.s32 @p1 $0xE880;
	s23 =	simm.s32 @p1 $0xF;
	[sflag:s24] =	ssyncadd.s32 @p1 $0xFFFFE700  }
0xe2: {  	[tilespmem:s21], [sflag:$0x6] =	stream.indirect.gather @p1 [spmem:s1], $0x80, s8, s20, $0xb8;
	[tilespmem:$0x13E40] =	vst v63  }
0xe3: {  	_ =	swait.ge @p1 [sflag:s23], $0x1900  }
0xe4: {  	s22 =	sadd.s32 @p1 $0x4150, s22;
	[sflag:s23] =	ssyncset.done @p1 $0x0  }
0xe5: {  	s8 =	simm.s32 @p1 $0x10480;
	s21 =	simm.s32 @p1 $0x10;
	[sflag:s23] =	ssyncadd.s32 @p1 $0xFFFFE700  }
0xe6: {  	[tilespmem:s8], [sflag:$0x7] =	stream.indirect.gather @p1 [spmem:s1], $0x80, s22, s20, $0xb8;
	[tilespmem:$0x13E40] =	vst v63  }
0xe7: {  	_ =	swait.ge @p1 [sflag:s21], $0x1900  }
0xe8: {  	s8 =	simm.s32 @!p1 $0x38;
	[sflag:s21] =	ssyncset.done @p1 $0x0  }
0xe9: {  	s20 =	simm.s32 @!p1 $0x4000;
	[sflag:s21] =	ssyncadd.s32 @p1 $0xFFFFE700;
	s21 =	simm.s32 @!p1 $0x5C80  }
0xea: {  	[tilespmem:s21], [sflag:$0x1] =	stream.indirect.gather @!p1 [spmem:s1], $0x80, s20, s8, $0xb8;
	[tilespmem:$0x13E40] =	vst v63  }
0xeb: {  	s20 =	simm.s32 @!p1 $0x4038;
	s21 =	simm.s32 @!p1 $0x7880  }
0xec: {  	[tilespmem:s21], [sflag:$0x2] =	stream.indirect.gather @!p1 [spmem:s1], $0x80, s20, s8, $0xb8;
	[tilespmem:$0x13E40] =	vst v63  }
0xed: {  	s26 =	smov.u32 s30;
	s20 =	simm.s32 @!p1 $0x4070;
	s21 =	simm.s32 @!p1 $0x9480  }
0xee: {  	[tilespmem:s21], [sflag:$0x3] =	stream.indirect.gather @!p1 [spmem:s1], $0x80, s20, s8, $0xb8;
	[tilespmem:$0x13E40] =	vst v63  }
0xef: {  	s26 =	simm.s32 @!p1 $0x6;
	s20 =	simm.s32 @!p1 $0x40A8;
	s21 =	simm.s32 @!p1 $0xB080  }
0xf0: {  	[tilespmem:s21], [sflag:$0x4] =	stream.indirect.gather @!p1 [spmem:s1], $0x80, s20, s8, $0xb8;
	[tilespmem:$0x13E40] =	vst v63  }
0xf1: {  	s26 =	sadd.s32 s5, s26;
	s20 =	simm.s32 @!p1 $0x40E0;
	s21 =	simm.s32 @!p1 $0xCC80  }
0xf2: {  	[tilespmem:s21], [sflag:$0x5] =	stream.indirect.gather @!p1 [spmem:s1], $0x80, s20, s8, $0xb8;
	[tilespmem:$0x13E40] =	vst v63  }
0xf3: {  	s6 =	smul.u32 $0x380, s26;
	s20 =	simm.s32 @!p1 $0x4118;
	s21 =	simm.s32 @!p1 $0xE880  }
0xf4: {  	[tilespmem:s21], [sflag:$0x6] =	stream.indirect.gather @!p1 [spmem:s1], $0x80, s20, s8, $0xb8;
	[tilespmem:$0x13E40] =	vst v63  }
0xf5: {  	s26 =	sshra.s32 s0, $0x2;
	s20 =	simm.s32 @!p1 $0x4150;
	s21 =	simm.s32 @!p1 $0x10480  }
0xf6: {  	[tilespmem:s21], [sflag:$0x7] =	stream.indirect.gather @!p1 [spmem:s1], $0x80, s20, s8, $0xb8;
	[tilespmem:$0x13E40] =	vst v63  }
0xf7: {  	s10 =	smov.u32 s3;
	s23 =	sadd.s32 $0x4188, s26;
	s28 =	rddreg [dreg:$0x4]  }
0xf8: {  	[tilespmem:s11], [sflag:$0x8] =	stream.indirect.gather [spmem:s1], $0x80, s23, s28, $0xb8;
	[tilespmem:$0x13E40] =	vst v63  }
0xf9: {  	s0 =	smov.u32 s10;
	s8 =	sadd.s32 @p1 $0xFFFFFFFB, s30;
	_ =	swait.ge [sflag:s12], $0x1C00  }
0xfa: {  	s10 =	sadd.s32 @p1 $0xFFFFFFFC, s30;
	s8 =	simm.s32 @!p1 $0x1;
	[sflag:s12] =	ssyncset.done $0x0  }
0xfb: {  	s8 =	sadd.s32 s5, s8;
	s24 =	rddreg [dreg:$0x5];
	[sflag:s12] =	ssyncadd.s32 $0xFFFFE400  }
0xfc: {  	[hbm4b:s31+s2] =	stream.linear.scatter [tilespmem:s24], [sflag:$0x9], $0x1900, $0x38;
	[tilespmem:$0x13E40] =	vst v63  }
0xfd: {  	s10 =	simm.s32 @!p1 $0x2;
	s8 =	smul.u32 $0x380, s8;
	_ =	swait.ge [sflag:s13], $0x1C00  }
0xfe: {  	s10 =	sadd.s32 s5, s10;
	s20 =	sadd.s32 @p1 $0xFFFFFFFD, s30;
	[sflag:s13] =	ssyncset.done $0x0  }
0xff: {  	s8 =	sadd.s32 s4, s8;
	s25 =	rddreg [dreg:$0x6];
	[sflag:s13] =	ssyncadd.s32 $0xFFFFE400  }
0x100: {  	[hbm4b:s8+s2] =	stream.linear.scatter [tilespmem:s25], [sflag:$0xA], $0x1900, $0x38;
	[tilespmem:$0x13E40] =	vst v63  }
0x101: {  	s26 =	smul.u32 $0x380, s10;
	s20 =	simm.s32 @!p1 $0x3;
	_ =	swait.ge [sflag:s14], $0x1C00  }
0x102: {  	s21 =	sadd.s32 s5, s20;
	[sflag:s14] =	ssyncset.done $0x0  }
0x103: {  	s8 =	sadd.s32 s4, s26;
	s28 =	rddreg [dreg:$0x7];
	[sflag:s14] =	ssyncadd.s32 $0xFFFFE400  }
0x104: {  	[hbm4b:s8+s2] =	stream.linear.scatter [tilespmem:s28], [sflag:$0xB], $0x1900, $0x38;
	[tilespmem:$0x13E40] =	vst v63  }
0x105: {  	s8 =	smul.u32 $0x380, s21;
	_ =	swait.ge [sflag:s15], $0x1C00  }
0x106: {  	[sflag:s15] =	ssyncset.done $0x0  }
0x107: {  	s22 =	rddreg [dreg:$0x8];
	s8 =	sadd.s32 s4, s8;
	[sflag:s15] =	ssyncadd.s32 $0xFFFFE400  }
0x108: {  	[hbm4b:s8+s2] =	stream.linear.scatter [tilespmem:s22], [sflag:$0xC], $0x1900, $0x38;
	[tilespmem:$0x13E40] =	vst v63  }
0x109: {  	_ =	swait.ge [sflag:s16], $0x1C00  }
0x10a: {  	[sflag:s16] =	ssyncset.done $0x0  }
0x10b: {  	s7 =	sadd.s32 s4, s7;
	s23 =	rddreg [dreg:$0x9];
	[sflag:s16] =	ssyncadd.s32 $0xFFFFE400  }
0x10c: {  	[hbm4b:s7+s2] =	stream.linear.scatter [tilespmem:s23], [sflag:$0xD], $0x1900, $0x38;
	[tilespmem:$0x13E40] =	vst v63  }
0x10d: {  	s3 =	sadd.s32 $0x700, s3;
	s9 =	smul.u32 $0x380, s9;
	_ =	swait.ge [sflag:s17], $0x1C00  }
0x10e: {  	p3 =	sne.s32 s3, $0x7000;
	[sflag:s17] =	ssyncset.done $0x0  }
0x10f: {  	s25 =	sadd.s32 s4, s9;
	s24 =	rddreg [dreg:$0xa];
	[sflag:s17] =	ssyncadd.s32 $0xFFFFE400  }
0x110: {  	[hbm4b:s25+s2] =	stream.linear.scatter [tilespmem:s24], [sflag:$0xE], $0x1900, $0x38;
	[tilespmem:$0x13E40] =	vst v63  }
.Ltmp3:
0x111: {  	_ = 	snop;
	(pc) =	sbr.rel @p3 .LBB2_7-.Ltmp3, $4  }
0x112: {  	s30 =	sadd.s32 $0x8, s30;
	p1 =	sne.s32 s0, $0x0;
	_ =	swait.ge [sflag:s18], $0x1C00  }
0x113: {  	s28 =	sadd.s32 s4, s6;
	s6 =	sadd.s32 $0x1880, s31;
	[sflag:s18] =	ssyncset.done $0x0  }
0x114: {  	s31 =	sadd.s32 $0x1C00, s31;
	s26 =	rddreg [dreg:$0xb];
	[sflag:s18] =	ssyncadd.s32 $0xFFFFE400  }
0x115: {  	[hbm4b:s28+s2] =	stream.linear.scatter [tilespmem:s26], [sflag:$0xF], $0x1900, $0x38;
	[tilespmem:$0x13E40] =	vst v63  }
0x116: {  	s3 =	smov.u32 s0  }
.LBB2_9:
0x117: {  	_ =	swait.ge @p2 [sflag:s19], $0x1C00  }
0x118: {  	[sflag:s19] =	ssyncset.done @p2 $0x0  }
0x119: {  	s0 =	simm.s32 @p1 $0x9;
	[sflag:s19] =	ssyncadd.s32 @p2 $0xFFFFE400  }
0x11a: {  	[hbm4b:s6+s2] =	stream.linear.scatter @p2 [tilespmem:s11], [sflag:$0x10], $0x1900, $0x38;
	[tilespmem:$0x13E40] =	vst v63  }
0x11b: {  	_ =	swait.ge @p1 [sflag:s0], $0x1900  }
0x11c: {  	s8 =	simm.s32 @p1 $0x38;
	s6 =	sshra.s32 @p1 s3, $0x2;
	[sflag:s0] =	ssyncset.done @p1 $0x0  }
0x11d: {  	s7 =	sadd.s32 @p1 $0x4000, s6;
	[sflag:s0] =	ssyncadd.s32 @p1 $0xFFFFE700;
	s0 =	simm.s32 @p1 $0x5C80  }
0x11e: {  	[tilespmem:s0], [sflag:$0x1] =	stream.indirect.gather @p1 [spmem:s1], $0x80, s7, s8, $0xb8;
	[tilespmem:$0x13E40] =	vst v63  }
0x11f: {  	s0 =	simm.s32 @p1 $0xA  }
0x120: {  	_ =	swait.ge @p1 [sflag:s0], $0x1900  }
0x121: {  	[sflag:s0] =	ssyncset.done @p1 $0x0  }
0x122: {  	s7 =	sadd.s32 @p1 $0x4038, s6;
	[sflag:s0] =	ssyncadd.s32 @p1 $0xFFFFE700;
	s0 =	simm.s32 @p1 $0x7880  }
0x123: {  	[tilespmem:s0], [sflag:$0x2] =	stream.indirect.gather @p1 [spmem:s1], $0x80, s7, s8, $0xb8;
	[tilespmem:$0x13E40] =	vst v63  }
0x124: {  	s0 =	simm.s32 @p1 $0xB  }
0x125: {  	_ =	swait.ge @p1 [sflag:s0], $0x1900  }
0x126: {  	[sflag:s0] =	ssyncset.done @p1 $0x0  }
0x127: {  	s7 =	sadd.s32 @p1 $0x4070, s6;
	[sflag:s0] =	ssyncadd.s32 @p1 $0xFFFFE700;
	s0 =	simm.s32 @p1 $0x9480  }
0x128: {  	[tilespmem:s0], [sflag:$0x3] =	stream.indirect.gather @p1 [spmem:s1], $0x80, s7, s8, $0xb8;
	[tilespmem:$0x13E40] =	vst v63  }
0x129: {  	s0 =	simm.s32 @p1 $0xC  }
0x12a: {  	_ =	swait.ge @p1 [sflag:s0], $0x1900  }
0x12b: {  	[sflag:s0] =	ssyncset.done @p1 $0x0  }
0x12c: {  	s7 =	sadd.s32 @p1 $0x40A8, s6;
	[sflag:s0] =	ssyncadd.s32 @p1 $0xFFFFE700;
	s0 =	simm.s32 @p1 $0xB080  }
0x12d: {  	[tilespmem:s0], [sflag:$0x4] =	stream.indirect.gather @p1 [spmem:s1], $0x80, s7, s8, $0xb8;
	[tilespmem:$0x13E40] =	vst v63  }
0x12e: {  	s0 =	simm.s32 @p1 $0xD  }
0x12f: {  	_ =	swait.ge @p1 [sflag:s0], $0x1900  }
0x130: {  	[sflag:s0] =	ssyncset.done @p1 $0x0  }
0x131: {  	s7 =	sadd.s32 @p1 $0x40E0, s6;
	[sflag:s0] =	ssyncadd.s32 @p1 $0xFFFFE700;
	s0 =	simm.s32 @p1 $0xCC80  }
0x132: {  	[tilespmem:s0], [sflag:$0x5] =	stream.indirect.gather @p1 [spmem:s1], $0x80, s7, s8, $0xb8;
	[tilespmem:$0x13E40] =	vst v63  }
0x133: {  	s0 =	simm.s32 @p1 $0xE  }
0x134: {  	_ =	swait.ge @p1 [sflag:s0], $0x1900  }
0x135: {  	[sflag:s0] =	ssyncset.done @p1 $0x0  }
0x136: {  	s7 =	sadd.s32 @p1 $0x4118, s6;
	[sflag:s0] =	ssyncadd.s32 @p1 $0xFFFFE700;
	s0 =	simm.s32 @p1 $0xE880  }
0x137: {  	[tilespmem:s0], [sflag:$0x6] =	stream.indirect.gather @p1 [spmem:s1], $0x80, s7, s8, $0xb8;
	[tilespmem:$0x13E40] =	vst v63  }
0x138: {  	s0 =	simm.s32 @p1 $0xF  }
0x139: {  	_ =	swait.ge @p1 [sflag:s0], $0x1900  }
0x13a: {  	[sflag:s0] =	ssyncset.done @p1 $0x0  }
0x13b: {  	s6 =	sadd.s32 @p1 $0x4150, s6;
	[sflag:s0] =	ssyncadd.s32 @p1 $0xFFFFE700;
	s0 =	simm.s32 @p1 $0x10480  }
0x13c: {  	[tilespmem:s0], [sflag:$0x7] =	stream.indirect.gather @p1 [spmem:s1], $0x80, s6, s8, $0xb8;
	[tilespmem:$0x13E40] =	vst v63  }
0x13d: {  	s0 =	simm.s32 @p1 $0x10  }
0x13e: {  	_ =	swait.ge @p1 [sflag:s0], $0x1900  }
0x13f: {  	s7 =	simm.s32 @!p1 $0x4000;
	[sflag:s0] =	ssyncset.done @p1 $0x0  }
0x140: {  	s6 =	simm.s32 @!p1 $0x38;
	[sflag:s0] =	ssyncadd.s32 @p1 $0xFFFFE700;
	s0 =	simm.s32 @!p1 $0x5C80  }
0x141: {  	[tilespmem:s0], [sflag:$0x1] =	stream.indirect.gather @!p1 [spmem:s1], $0x80, s7, s6, $0xb8;
	[tilespmem:$0x13E40] =	vst v63  }
0x142: {  	s0 =	simm.s32 @!p1 $0x4038;
	s7 =	simm.s32 @!p1 $0x7880  }
0x143: {  	[tilespmem:s7], [sflag:$0x2] =	stream.indirect.gather @!p1 [spmem:s1], $0x80, s0, s6, $0xb8;
	[tilespmem:$0x13E40] =	vst v63  }
0x144: {  	s0 =	simm.s32 @!p1 $0x4070;
	s7 =	simm.s32 @!p1 $0x9480  }
0x145: {  	[tilespmem:s7], [sflag:$0x3] =	stream.indirect.gather @!p1 [spmem:s1], $0x80, s0, s6, $0xb8;
	[tilespmem:$0x13E40] =	vst v63  }
0x146: {  	s0 =	simm.s32 @!p1 $0x40A8;
	s7 =	simm.s32 @!p1 $0xB080  }
0x147: {  	[tilespmem:s7], [sflag:$0x4] =	stream.indirect.gather @!p1 [spmem:s1], $0x80, s0, s6, $0xb8;
	[tilespmem:$0x13E40] =	vst v63  }
0x148: {  	s0 =	simm.s32 @!p1 $0x40E0;
	s7 =	simm.s32 @!p1 $0xCC80  }
0x149: {  	[tilespmem:s7], [sflag:$0x5] =	stream.indirect.gather @!p1 [spmem:s1], $0x80, s0, s6, $0xb8;
	[tilespmem:$0x13E40] =	vst v63  }
0x14a: {  	s0 =	simm.s32 @!p1 $0x4118;
	s7 =	simm.s32 @!p1 $0xE880  }
0x14b: {  	[tilespmem:s7], [sflag:$0x6] =	stream.indirect.gather @!p1 [spmem:s1], $0x80, s0, s6, $0xb8;
	[tilespmem:$0x13E40] =	vst v63  }
0x14c: {  	s23 =	sshra.s32 s3, $0x2;
	s0 =	simm.s32 @!p1 $0x4150;
	s7 =	simm.s32 @!p1 $0x10480  }
0x14d: {  	[tilespmem:s7], [sflag:$0x7] =	stream.indirect.gather @!p1 [spmem:s1], $0x80, s0, s6, $0xb8;
	[tilespmem:$0x13E40] =	vst v63  }
0x14e: {  	s3 =	sadd.s32 $0x4188, s23;
	s22 =	rddreg [dreg:$0x4]  }
0x14f: {  	[tilespmem:s11], [sflag:$0x8] =	stream.indirect.gather [spmem:s1], $0x80, s3, s22, $0xb8;
	[tilespmem:$0x13E40] =	vst v63  }
0x150: {  	s3 =	sadd.s32 @p1 $0xFFFFFFFB, s30;
	_ =	swait.ge [sflag:s12], $0x1C00  }
0x151: {  	s3 =	simm.s32 @!p1 $0x1;
	[sflag:s12] =	ssyncset.done $0x0  }
0x152: {  	s24 =	rddreg [dreg:$0x5];
	s25 =	sadd.s32 s5, s3;
	[sflag:s12] =	ssyncadd.s32 $0xFFFFE400  }
0x153: {  	[hbm4b:s31+s2] =	stream.linear.scatter [tilespmem:s24], [sflag:$0x9], $0x1900, $0x38;
	[tilespmem:$0x13E40] =	vst v63  }
0x154: {  	s0 =	smul.u32 $0x380, s25;
	_ =	swait.ge [sflag:s13], $0x1C00  }
0x155: {  	[sflag:s13] =	ssyncset.done $0x0  }
0x156: {  	s0 =	sadd.s32 s4, s0;
	s26 =	rddreg [dreg:$0x6];
	[sflag:s13] =	ssyncadd.s32 $0xFFFFE400  }
0x157: {  	[hbm4b:s0+s2] =	stream.linear.scatter [tilespmem:s26], [sflag:$0xA], $0x1900, $0x38;
	[tilespmem:$0x13E40] =	vst v63  }
0x158: {  	s0 =	sadd.s32 @p1 $0xFFFFFFFC, s30  }
0x159: {  	s0 =	simm.s32 @!p1 $0x2  }
0x15a: {  	s0 =	sadd.s32 s5, s0  }
0x15b: {  	_ =	swait.ge [sflag:s14], $0x1C00;
	s0 =	smul.u32 $0x380, s0  }
0x15c: {  	[sflag:s14] =	ssyncset.done $0x0  }
0x15d: {  	s28 =	rddreg [dreg:$0x7];
	[sflag:s14] =	ssyncadd.s32 $0xFFFFE400;
	s0 =	sadd.s32 s4, s0  }
0x15e: {  	[hbm4b:s0+s2] =	stream.linear.scatter [tilespmem:s28], [sflag:$0xB], $0x1900, $0x38;
	[tilespmem:$0x13E40] =	vst v63  }
0x15f: {  	s0 =	sadd.s32 @p1 $0xFFFFFFFD, s30  }
0x160: {  	s0 =	simm.s32 @!p1 $0x3  }
0x161: {  	s0 =	sadd.s32 s5, s0  }
0x162: {  	_ =	swait.ge [sflag:s15], $0x1C00;
	s0 =	smul.u32 $0x380, s0  }
0x163: {  	[sflag:s15] =	ssyncset.done $0x0  }
0x164: {  	s6 =	rddreg [dreg:$0x8];
	[sflag:s15] =	ssyncadd.s32 $0xFFFFE400;
	s0 =	sadd.s32 s4, s0  }
0x165: {  	[hbm4b:s0+s2] =	stream.linear.scatter [tilespmem:s6], [sflag:$0xC], $0x1900, $0x38;
	[tilespmem:$0x13E40] =	vst v63  }
0x166: {  	s0 =	sadd.s32 @p1 $0xFFFFFFFE, s30  }
0x167: {  	s0 =	simm.s32 @!p1 $0x4  }
0x168: {  	s0 =	sadd.s32 s5, s0  }
0x169: {  	_ =	swait.ge [sflag:s16], $0x1C00;
	s0 =	smul.u32 $0x380, s0  }
0x16a: {  	[sflag:s16] =	ssyncset.done $0x0  }
0x16b: {  	s7 =	rddreg [dreg:$0x9];
	[sflag:s16] =	ssyncadd.s32 $0xFFFFE400;
	s0 =	sadd.s32 s4, s0  }
0x16c: {  	[hbm4b:s0+s2] =	stream.linear.scatter [tilespmem:s7], [sflag:$0xD], $0x1900, $0x38;
	[tilespmem:$0x13E40] =	vst v63  }
0x16d: {  	s0 =	sadd.s32 @p1 $0xFFFFFFFF, s30  }
0x16e: {  	s0 =	simm.s32 @!p1 $0x5  }
0x16f: {  	s0 =	sadd.s32 s5, s0  }
0x170: {  	s30 =	simm.s32 @!p1 $0x6;
	_ =	swait.ge [sflag:s17], $0x1C00;
	s0 =	smul.u32 $0x380, s0  }
0x171: {  	s9 =	sadd.s32 s5, s30;
	[sflag:s17] =	ssyncset.done $0x0  }
0x172: {  	s8 =	rddreg [dreg:$0xa];
	[sflag:s17] =	ssyncadd.s32 $0xFFFFE400;
	s0 =	sadd.s32 s4, s0  }
0x173: {  	[hbm4b:s0+s2] =	stream.linear.scatter [tilespmem:s8], [sflag:$0xE], $0x1900, $0x38;
	[tilespmem:$0x13E40] =	vst v63  }
0x174: {  	s0 =	smul.u32 $0x380, s9;
	_ =	swait.ge [sflag:s18], $0x1C00  }
0x175: {  	[sflag:s18] =	ssyncset.done $0x0  }
0x176: {  	s10 =	rddreg [dreg:$0xb];
	s0 =	sadd.s32 s4, s0;
	[sflag:s18] =	ssyncadd.s32 $0xFFFFE400  }
0x177: {  	[hbm4b:s0+s2] =	stream.linear.scatter [tilespmem:s10], [sflag:$0xF], $0x1900, $0x38;
	[tilespmem:$0x13E40] =	vst v63  }
0x178: {  	_ =	swait.ge [sflag:s19], $0x1C00  }
0x179: {  	[sflag:s19] =	ssyncset.done $0x0  }
0x17a: {  	s20 =	sadd.s32 $0x1880, s31;
	s21 =	simm.s32 $0x9;
	[sflag:s19] =	ssyncadd.s32 $0xFFFFE400  }
0x17b: {  	[hbm4b:s20+s2] =	stream.linear.scatter [tilespmem:s11], [sflag:$0x10], $0x1900, $0x38;
	[tilespmem:$0x13E40] =	vst v63  }
0x17c: {  	_ =	swait.ge [sflag:s21], $0x1900  }
0x17d: {  	[sflag:s21] =	ssyncset.done $0x0  }
0x17e: {  	s22 =	simm.s32 $0xA;
	[sflag:s21] =	ssyncadd.s32 $0xFFFFE700  }
0x17f: {  	_ =	swait.ge [sflag:s22], $0x1900  }
0x180: {  	[sflag:s22] =	ssyncset.done $0x0  }
0x181: {  	s23 =	simm.s32 $0xB;
	[sflag:s22] =	ssyncadd.s32 $0xFFFFE700  }
0x182: {  	_ =	swait.ge [sflag:s23], $0x1900  }
0x183: {  	[sflag:s23] =	ssyncset.done $0x0  }
0x184: {  	s24 =	simm.s32 $0xC;
	[sflag:s23] =	ssyncadd.s32 $0xFFFFE700  }
0x185: {  	_ =	swait.ge [sflag:s24], $0x1900  }
0x186: {  	[sflag:s24] =	ssyncset.done $0x0  }
0x187: {  	s25 =	simm.s32 $0xD;
	[sflag:s24] =	ssyncadd.s32 $0xFFFFE700  }
0x188: {  	_ =	swait.ge [sflag:s25], $0x1900  }
0x189: {  	[sflag:s25] =	ssyncset.done $0x0  }
0x18a: {  	s26 =	simm.s32 $0xE;
	[sflag:s25] =	ssyncadd.s32 $0xFFFFE700  }
0x18b: {  	_ =	swait.ge [sflag:s26], $0x1900  }
0x18c: {  	[sflag:s26] =	ssyncset.done $0x0  }
0x18d: {  	s28 =	simm.s32 $0xF;
	[sflag:s26] =	ssyncadd.s32 $0xFFFFE700  }
0x18e: {  	_ =	swait.ge [sflag:s28], $0x1900  }
0x18f: {  	[sflag:s28] =	ssyncset.done $0x0  }
0x190: {  	s30 =	simm.s32 $0x10;
	[sflag:s28] =	ssyncadd.s32 $0xFFFFE700  }
0x191: {  	_ =	swait.ge [sflag:s30], $0x1900  }
0x192: {  	s29 =	sadd.s32 $0x1, s29;
	s31 =	rddreg [dreg:$0xe]  }
0x193: {  	p1 =	sne.s32 s29, s31  }
.Ltmp4:
0x194: {  	_ = 	snop;
	(pc) =	sbr.rel @p1 .LBB2_1-.Ltmp4, $4  }
.Ltmp5:
0x195: {  	_ = 	snop;
	(pc) =	sbr.rel @!p1 .LBB2_10-.Ltmp5, $4  }
0x196: {  	_ = 	snop  }
0x197: {  	[sflag:s30] =	ssyncset.done $0x0  }
0x198: {  	[sflag:s30] =	ssyncadd.s32 $0xFFFFE700  }
0x199: {  	_ = 	snop  }
.LBB2_4:
.Ltmp6:
0x19a: {  	(pc) =	sbr.rel .LBB2_9-.Ltmp6, $2  }
0x19b: {  	_ =	sdelay $0x2  }
0x19c: {  	s31 =	rddreg [dreg:$0xf]  }
.LBB2_6:
.Ltmp7:
0x19d: {  	(pc) =	sbr.rel .LBB2_9-.Ltmp7, $2  }
0x19e: {  	_ =	sdelay $0x2  }
0x19f: {  	s3 =	simm.s32 $0x700  }
.LBB2_10:
0x1a0: {  	_ =	sfence.sel $0x180000  }
0x1a1: {  	[bflag:$0x0] =	sbarrier.arrive $0xFFFF  }
0x1a2: {  	_ =	strace $0x90000047  }
0x1a3: {  	[bflag:$0x2] =	sbarrier.arrive $0xFFFF  }
0x1a4: {  	s0 =	rddreg [dreg:$0x3]  }
0x1a5: {  	s0 =	sadd.s32 @!p0 $0x100000, s0  }
0x1a6: {  	[sflag:s0] =	ssyncadd.tile.s32 @!p0 $0x1;
	_ =	shalt  }
.Lfunc_end2:
_tile_overlayer_lowered:
.L_overlay_start_2:
0x1a7: {  	(tag) =	ssettag $0x2  }
0x1a8: {  	s0 =	rddreg [dreg:$0x0];
	s2 =	stileid.u32  }
0x1a9: {  	s1 =	rddreg [dreg:$0x1];
	p0 =	sne.s32 s2, $0x0  }
0x1aa: {  	s3 =	rddreg [dreg:$0x2];
	[bflag:$0x3] =	sbarrier.arrive $0xFFFF;
	s2 =	simm.s32 @!p0 $0x1C11  }
0x1ab: {  	[timem:s3], [sflag:s2] =	dma.local @!p0 [hbm:s0], s1  }
0x1ac: {  	s0 =	simm.s32 @!p0 $0x11  }
0x1ad: {  	_ =	swait.ge @!p0 [sflag:s0], s1  }
0x1ae: {  	s1 =	ssub.s32 @!p0 $0x0, s1;
	[sflag:s0] =	ssyncset.done @!p0 $0x0  }
0x1af: {  	[sflag:s0] =	ssyncadd.s32 @!p0 s1  }
0x1b0: {  	[bflag:$0x3] =	sbarrier.arrive $0xFFFF  }
0x1b1: {  	_ =	shalt  }

</sc_bundles>
